<compile_context>
chip_gen: v7x
topology: tpu7x:2x2x1
jax: 0.10.2.dev20260603
libtpu: 0.0.44.dev20260713+nightly
codegen_flags: <defaults>
</compile_context>

<pallas_src>
import functools

import numpy as np
import jax
import jax.numpy as jnp
from jax import lax
from jax.experimental import pallas as pl
from jax.experimental.pallas import tpu as pltpu
from jax.experimental.pallas import tpu_sc as plsc

_D = 64
_SEQ = 200
_MAXLEN = 5000
_NC = 2
_NS = 16
_NW = _NC * _NS
_CHUNK = 128


def _make_pe_table(max_len=_MAXLEN, d_model=_D):
    position = np.arange(max_len, dtype=np.float32)[:, None]
    div_term = np.exp(
        np.arange(0, d_model, 2, dtype=np.float32) * (-np.log(10000.0) / d_model))
    pe = np.zeros((max_len, d_model), dtype=np.float32)
    pe[:, 0::2] = np.sin(position * div_term)
    pe[:, 1::2] = np.cos(position * div_term)
    return pe


_PE2 = np.concatenate([_make_pe_table()[:_SEQ]] * 3, axis=0)[:_SEQ + _CHUNK]


def _sc_body(nchunk, x_hbm, tab_hbm, pe_hbm, out_hbm, idx_v, pe_v,
             g0, g1, s0, s1, gsem0, gsem1, ssem0, ssem1):
    wid = lax.axis_index("s") * _NC + lax.axis_index("c")
    pltpu.sync_copy(x_hbm.at[wid], idx_v)
    pltpu.sync_copy(pe_hbm, pe_v)
    base = wid * nchunk * _CHUNK
    gb, sb = (g0, g1), (s0, s1)
    gs, ss = (gsem0, gsem1), (ssem0, ssem1)
    zero16 = jnp.zeros((16,), jnp.float32)

    def out_slice(cc):
        return out_hbm.at[pl.ds(base + cc * _CHUNK, _CHUNK)]

    for b in range(2):
        @plsc.parallel_loop(0, _CHUNK, unroll=8)
        def _(s):
            for d in range(_D // 16):
                sb[b][s, pl.ds(_D + d * 16, 16)] = zero16

    pltpu.async_copy(tab_hbm.at[idx_v.at[0]], g0, gsem0)
    pltpu.async_copy(tab_hbm.at[idx_v.at[1]], g1, gsem1)

    @pl.loop(0, nchunk, step=2)
    def chunk_pair(c):
        for b in range(2):
            cc = c + b
            pltpu.make_async_copy(tab_hbm.at[idx_v.at[cc]], gb[b], gs[b]).wait()
            @pl.when(cc >= 2)
            def _():
                pltpu.make_async_copy(sb[b], out_slice(cc - 2), ss[b]).wait()

            pe_off = lax.rem(cc * _CHUNK, _SEQ)

            @plsc.parallel_loop(0, _CHUNK, unroll=8)
            def _(s):
                for d in range(_D // 16):
                    sl = pl.ds(d * 16, 16)
                    sb[b][s, sl] = gb[b][s, sl] + pe_v[pe_off + s, sl]

            @pl.when(cc + 2 < nchunk)
            def _():
                pltpu.async_copy(tab_hbm.at[idx_v.at[cc + 2]], gb[b], gs[b])

            pltpu.async_copy(sb[b], out_slice(cc), ss[b])

    for b in range(2):
        cc = nchunk - 2 + b
        pltpu.make_async_copy(sb[b], out_slice(cc), ss[b]).wait()


@jax.jit
def kernel(x, emb_weight):
    batch, seq = x.shape
    nrows = batch * seq
    assert seq == _SEQ and nrows % (_NW * _CHUNK) == 0
    nchunk = nrows // (_NW * _CHUNK)
    x_r = x.astype(jnp.int32).reshape(_NW, nchunk, _CHUNK)

    mesh = plsc.VectorSubcoreMesh(core_axis_name="c", subcore_axis_name="s")
    k = pl.kernel(
        functools.partial(_sc_body, nchunk),
        out_type=jax.ShapeDtypeStruct((nrows, 2 * _D), jnp.float32),
        mesh=mesh,
        scratch_types=(
            [pltpu.VMEM((nchunk, _CHUNK), jnp.int32),
             pltpu.VMEM((_SEQ + _CHUNK, _D), jnp.float32),
             pltpu.VMEM((_CHUNK, _D), jnp.float32),
             pltpu.VMEM((_CHUNK, _D), jnp.float32),
             pltpu.VMEM((_CHUNK, 2 * _D), jnp.float32),
             pltpu.VMEM((_CHUNK, 2 * _D), jnp.float32)]
            + [pltpu.SemaphoreType.DMA] * 4
        ),
        compiler_params=pltpu.CompilerParams(use_tc_tiling_on_sc=False),
    )
    out = k(x_r, emb_weight, jnp.asarray(_PE2))
    return out.reshape(batch, seq, 2 * _D)[:, :, :_D]

# --- scband reference (transcript-rebuilt; emitter-appended) ---
"""Pipeline reference for scband-embedding-with-pos-encoding-8117488190284 (READ-ONLY COPY).

The authoritative reference and input builder live on the scoring server;
editing this copy changes nothing except your own understanding.
"""

import jax, jax.numpy as jnp
import numpy as np

VOCAB = 1000000
D_MODEL = 64
MAX_LEN = 5000
BATCH = 4096
SEQ = 200

def _make_pe(max_len=MAX_LEN, d_model=D_MODEL):
    position = np.arange(max_len, dtype=np.float32)[:, None]
    div_term = np.exp(np.arange(0, d_model, 2, dtype=np.float32) * (-np.log(10000.0) / d_model))
    pe = np.zeros((max_len, d_model), dtype=np.float32)
    pe[:, 0::2] = np.sin(position * div_term)
    pe[:, 1::2] = np.cos(position * div_term)
    return jnp.asarray(pe[None])  # [1, max_len, d_model]

_PE = _make_pe()

def setup_inputs(seed: int = 0) -> dict:
    key = jax.random.key(seed)
    k1, k2 = jax.random.split(key)
    x = jax.random.randint(k1, (BATCH, SEQ), 0, VOCAB)
    emb_weight = jax.random.normal(k2, (VOCAB, D_MODEL), dtype=jnp.float32)
    return {"x": x, "emb_weight": emb_weight}

def reference(x, emb_weight):
    seq_len = x.shape[1]
    out = jnp.take(emb_weight, x, axis=0)  # embedding lookup [B, S, D]
    # dropout p=0 -> identity
    out = out + _PE[:, :seq_len]
    return out

if __name__ == "__main__":
    import jax
    _d = setup_inputs()
    print(jax.jit(kernel)(*tuple(_d.values())))

</pallas_src>

<mosaic_0001>
#map = affine_map<(d0, d1) -> (0, 0, 0)>
#map1 = affine_map<(d0, d1) -> (0, 0)>
module attributes {stable_mosaic.version = 14 : i64} {
  func.func @_sc_body(%arg0: i32, %arg1: i32, %arg2: memref<32x200x128xi32, #tpu.memory_space<hbm>>, %arg3: memref<1000000x64xf32, #tpu.memory_space<hbm>>, %arg4: memref<328x64xf32, #tpu.memory_space<hbm>>, %arg5: memref<819200x128xf32, #tpu.memory_space<hbm>>, %arg6: memref<200x128xi32, #tpu.memory_space<vmem>>, %arg7: memref<328x64xf32, #tpu.memory_space<vmem>>, %arg8: memref<128x64xf32, #tpu.memory_space<vmem>>, %arg9: memref<128x64xf32, #tpu.memory_space<vmem>>, %arg10: memref<128x128xf32, #tpu.memory_space<vmem>>, %arg11: memref<128x128xf32, #tpu.memory_space<vmem>>, %arg12: memref<!tpu.dma_semaphore, #tpu.memory_space<semaphore_mem>>, %arg13: memref<!tpu.dma_semaphore, #tpu.memory_space<semaphore_mem>>, %arg14: memref<!tpu.dma_semaphore, #tpu.memory_space<semaphore_mem>>, %arg15: memref<!tpu.dma_semaphore, #tpu.memory_space<semaphore_mem>>) attributes {dimension_semantics = [#tpu.dimension_semantics<core_parallel>, #tpu.dimension_semantics<subcore_parallel>], iteration_bounds = array<i64: 2, 16>, scalar_prefetch = 0 : i64, scratch_operands = 10 : i64, tpu.core_type = #tpu.core_type<sc_vector_subcore>, window_params = [{transform_indices = #map}, {transform_indices = #map1}, {transform_indices = #map1}, {transform_indices = #map1}]} {
    %mul3A = arith.constant 2 : i32
    %mul3A_0 = arith.muli %arg1, %mul3A : i32
    %add3A = arith.addi %mul3A_0, %arg0 : i32
    "tpu.region"() ({
      %run_scoped3A = tpu.sem_alloc : memref<!tpu.dma_semaphore, #tpu.memory_space<semaphore_mem>>
      %dma_start3A_39 = arith.constant 0 : i32
      %dma_start3A_40 = arith.constant 0 : i32
      %dma_start3A_41 = tpu.memref_slice %arg2[%add3A, %dma_start3A_39, %dma_start3A_40] : memref<32x200x128xi32, #tpu.memory_space<hbm>> -> memref<1x200x128xi32, #tpu.memory_space<hbm>>
      %dma_start3A_42 = tpu.memref_squeeze %dma_start3A_41 : memref<1x200x128xi32, #tpu.memory_space<hbm>> -> memref<200x128xi32, #tpu.memory_space<hbm>>
      %dma_start3A_43 = arith.constant 0 : i32
      %dma_start3A_44 = arith.constant 0 : i32
      %dma_start3A_45 = tpu.memref_slice %arg2[%add3A, %dma_start3A_43, %dma_start3A_44] : memref<32x200x128xi32, #tpu.memory_space<hbm>> -> memref<1x200x128xi32, #tpu.memory_space<hbm>>
      %dma_start3A_46 = tpu.memref_squeeze %dma_start3A_45 : memref<1x200x128xi32, #tpu.memory_space<hbm>> -> memref<200x128xi32, #tpu.memory_space<hbm>>
      tpu.enqueue_dma source(%dma_start3A_46 : memref<200x128xi32, #tpu.memory_space<hbm>>) target(%arg6 : memref<200x128xi32, #tpu.memory_space<vmem>>) target_semaphore(%run_scoped3A : memref<!tpu.dma_semaphore, #tpu.memory_space<semaphore_mem>>)
      %dma_wait3A_47 = arith.constant 0 : i32
      %dma_wait3A_48 = arith.constant 0 : i32
      %dma_wait3A_49 = tpu.memref_slice %arg2[%add3A, %dma_wait3A_47, %dma_wait3A_48] : memref<32x200x128xi32, #tpu.memory_space<hbm>> -> memref<1x200x128xi32, #tpu.memory_space<hbm>>
      %dma_wait3A_50 = tpu.memref_squeeze %dma_wait3A_49 : memref<1x200x128xi32, #tpu.memory_space<hbm>> -> memref<200x128xi32, #tpu.memory_space<hbm>>
      %dma_wait3A_51 = arith.constant 0 : i32
      %dma_wait3A_52 = arith.constant 0 : i32
      %dma_wait3A_53 = tpu.memref_slice %arg2[%add3A, %dma_wait3A_51, %dma_wait3A_52] : memref<32x200x128xi32, #tpu.memory_space<hbm>> -> memref<1x200x128xi32, #tpu.memory_space<hbm>>
      %dma_wait3A_54 = tpu.memref_squeeze %dma_wait3A_53 : memref<1x200x128xi32, #tpu.memory_space<hbm>> -> memref<200x128xi32, #tpu.memory_space<hbm>>
      tpu.wait_dma2 semaphore(%run_scoped3A : memref<!tpu.dma_semaphore, #tpu.memory_space<semaphore_mem>>) src(%dma_wait3A_54 : memref<200x128xi32, #tpu.memory_space<hbm>>) dst(%arg6 : memref<200x128xi32, #tpu.memory_space<vmem>>)
      tpu.yield
    }) : () -> ()
    "tpu.region"() ({
      %run_scoped3A = tpu.sem_alloc : memref<!tpu.dma_semaphore, #tpu.memory_space<semaphore_mem>>
      tpu.enqueue_dma source(%arg4 : memref<328x64xf32, #tpu.memory_space<hbm>>) target(%arg7 : memref<328x64xf32, #tpu.memory_space<vmem>>) target_semaphore(%run_scoped3A : memref<!tpu.dma_semaphore, #tpu.memory_space<semaphore_mem>>)
      tpu.wait_dma2 semaphore(%run_scoped3A : memref<!tpu.dma_semaphore, #tpu.memory_space<semaphore_mem>>) src(%arg4 : memref<328x64xf32, #tpu.memory_space<hbm>>) dst(%arg7 : memref<328x64xf32, #tpu.memory_space<vmem>>)
      tpu.yield
    }) : () -> ()
    %mul3A_1 = arith.constant 200 : i32
    %mul3A_2 = arith.muli %add3A, %mul3A_1 : i32
    %mul3A_3 = arith.constant 128 : i32
    %mul3A_4 = arith.muli %mul3A_2, %mul3A_3 : i32
    %broadcast_in_dim3A = arith.constant 0.000000e+00 : f32
    %broadcast_in_dim3A_5 = vector.broadcast %broadcast_in_dim3A : f32 to vector<16xf32>
    %parallel_loop3A = arith.constant 0 : i32
    %parallel_loop3A_6 = arith.constant 128 : i32
    %parallel_loop3A_7 = arith.constant 1 : i32
    scf.for %parallel_loop3A_39 = %parallel_loop3A to %parallel_loop3A_6 step %parallel_loop3A_7  : i32 {
      %parallel_loop3A_40 = arith.index_cast %parallel_loop3A_39 : i32 to index
      %parallel_loop3A_41 = arith.constant 64 : index
      %parallel_loop3A_42 = tpu.vector_load %arg10[%parallel_loop3A_40, %parallel_loop3A_41] {strides = array<i32>} : memref<128x128xf32, #tpu.memory_space<vmem>>, vector<1x16xf32>,
      %parallel_loop3A_43 = vector.shape_cast %parallel_loop3A_42 : vector<1x16xf32> to vector<16xf32>
      %parallel_loop3A_44 = vector.shape_cast %broadcast_in_dim3A_5 : vector<16xf32> to vector<1x16xf32>
      tpu.vector_store %arg10[%parallel_loop3A_40, %parallel_loop3A_41], %parallel_loop3A_44 {strides = array<i32>} : memref<128x128xf32, #tpu.memory_space<vmem>>, vector<1x16xf32>,
      %parallel_loop3A_45 = arith.index_cast %parallel_loop3A_39 : i32 to index
      %parallel_loop3A_46 = arith.constant 80 : index
      %parallel_loop3A_47 = tpu.vector_load %arg10[%parallel_loop3A_45, %parallel_loop3A_46] {strides = array<i32>} : memref<128x128xf32, #tpu.memory_space<vmem>>, vector<1x16xf32>,
      %parallel_loop3A_48 = vector.shape_cast %parallel_loop3A_47 : vector<1x16xf32> to vector<16xf32>
      %parallel_loop3A_49 = vector.shape_cast %broadcast_in_dim3A_5 : vector<16xf32> to vector<1x16xf32>
      tpu.vector_store %arg10[%parallel_loop3A_45, %parallel_loop3A_46], %parallel_loop3A_49 {strides = array<i32>} : memref<128x128xf32, #tpu.memory_space<vmem>>, vector<1x16xf32>,
      %parallel_loop3A_50 = arith.index_cast %parallel_loop3A_39 : i32 to index
      %parallel_loop3A_51 = arith.constant 96 : index
      %parallel_loop3A_52 = tpu.vector_load %arg10[%parallel_loop3A_50, %parallel_loop3A_51] {strides = array<i32>} : memref<128x128xf32, #tpu.memory_space<vmem>>, vector<1x16xf32>,
      %parallel_loop3A_53 = vector.shape_cast %parallel_loop3A_52 : vector<1x16xf32> to vector<16xf32>
      %parallel_loop3A_54 = vector.shape_cast %broadcast_in_dim3A_5 : vector<16xf32> to vector<1x16xf32>
      tpu.vector_store %arg10[%parallel_loop3A_50, %parallel_loop3A_51], %parallel_loop3A_54 {strides = array<i32>} : memref<128x128xf32, #tpu.memory_space<vmem>>, vector<1x16xf32>,
      %parallel_loop3A_55 = arith.index_cast %parallel_loop3A_39 : i32 to index
      %parallel_loop3A_56 = arith.constant 112 : index
      %parallel_loop3A_57 = tpu.vector_load %arg10[%parallel_loop3A_55, %parallel_loop3A_56] {strides = array<i32>} : memref<128x128xf32, #tpu.memory_space<vmem>>, vector<1x16xf32>,
      %parallel_loop3A_58 = vector.shape_cast %parallel_loop3A_57 : vector<1x16xf32> to vector<16xf32>
      %parallel_loop3A_59 = vector.shape_cast %broadcast_in_dim3A_5 : vector<16xf32> to vector<1x16xf32>
      tpu.vector_store %arg10[%parallel_loop3A_55, %parallel_loop3A_56], %parallel_loop3A_59 {strides = array<i32>} : memref<128x128xf32, #tpu.memory_space<vmem>>, vector<1x16xf32>,
    } {sc.loop_unroll_factor = 8 : i64, sc.parallel_access}
    %parallel_loop3A_8 = arith.constant 0 : i32
    %parallel_loop3A_9 = arith.constant 128 : i32
    %parallel_loop3A_10 = arith.constant 1 : i32
    scf.for %parallel_loop3A_39 = %parallel_loop3A_8 to %parallel_loop3A_9 step %parallel_loop3A_10  : i32 {
      %parallel_loop3A_40 = arith.index_cast %parallel_loop3A_39 : i32 to index
      %parallel_loop3A_41 = arith.constant 64 : index
      %parallel_loop3A_42 = tpu.vector_load %arg11[%parallel_loop3A_40, %parallel_loop3A_41] {strides = array<i32>} : memref<128x128xf32, #tpu.memory_space<vmem>>, vector<1x16xf32>,
      %parallel_loop3A_43 = vector.shape_cast %parallel_loop3A_42 : vector<1x16xf32> to vector<16xf32>
      %parallel_loop3A_44 = vector.shape_cast %broadcast_in_dim3A_5 : vector<16xf32> to vector<1x16xf32>
      tpu.vector_store %arg11[%parallel_loop3A_40, %parallel_loop3A_41], %parallel_loop3A_44 {strides = array<i32>} : memref<128x128xf32, #tpu.memory_space<vmem>>, vector<1x16xf32>,
      %parallel_loop3A_45 = arith.index_cast %parallel_loop3A_39 : i32 to index
      %parallel_loop3A_46 = arith.constant 80 : index
      %parallel_loop3A_47 = tpu.vector_load %arg11[%parallel_loop3A_45, %parallel_loop3A_46] {strides = array<i32>} : memref<128x128xf32, #tpu.memory_space<vmem>>, vector<1x16xf32>,
      %parallel_loop3A_48 = vector.shape_cast %parallel_loop3A_47 : vector<1x16xf32> to vector<16xf32>
      %parallel_loop3A_49 = vector.shape_cast %broadcast_in_dim3A_5 : vector<16xf32> to vector<1x16xf32>
      tpu.vector_store %arg11[%parallel_loop3A_45, %parallel_loop3A_46], %parallel_loop3A_49 {strides = array<i32>} : memref<128x128xf32, #tpu.memory_space<vmem>>, vector<1x16xf32>,
      %parallel_loop3A_50 = arith.index_cast %parallel_loop3A_39 : i32 to index
      %parallel_loop3A_51 = arith.constant 96 : index
      %parallel_loop3A_52 = tpu.vector_load %arg11[%parallel_loop3A_50, %parallel_loop3A_51] {strides = array<i32>} : memref<128x128xf32, #tpu.memory_space<vmem>>, vector<1x16xf32>,
      %parallel_loop3A_53 = vector.shape_cast %parallel_loop3A_52 : vector<1x16xf32> to vector<16xf32>
      %parallel_loop3A_54 = vector.shape_cast %broadcast_in_dim3A_5 : vector<16xf32> to vector<1x16xf32>
      tpu.vector_store %arg11[%parallel_loop3A_50, %parallel_loop3A_51], %parallel_loop3A_54 {strides = array<i32>} : memref<128x128xf32, #tpu.memory_space<vmem>>, vector<1x16xf32>,
      %parallel_loop3A_55 = arith.index_cast %parallel_loop3A_39 : i32 to index
      %parallel_loop3A_56 = arith.constant 112 : index
      %parallel_loop3A_57 = tpu.vector_load %arg11[%parallel_loop3A_55, %parallel_loop3A_56] {strides = array<i32>} : memref<128x128xf32, #tpu.memory_space<vmem>>, vector<1x16xf32>,
      %parallel_loop3A_58 = vector.shape_cast %parallel_loop3A_57 : vector<1x16xf32> to vector<16xf32>
      %parallel_loop3A_59 = vector.shape_cast %broadcast_in_dim3A_5 : vector<16xf32> to vector<1x16xf32>
      tpu.vector_store %arg11[%parallel_loop3A_55, %parallel_loop3A_56], %parallel_loop3A_59 {strides = array<i32>} : memref<128x128xf32, #tpu.memory_space<vmem>>, vector<1x16xf32>,
    } {sc.loop_unroll_factor = 8 : i64, sc.parallel_access}
    %dma_start3A = arith.constant 0 : i32
    %dma_start3A_11 = arith.constant 0 : i32
    %dma_start3A_12 = tpu.memref_slice %arg6[%dma_start3A, %dma_start3A_11] : memref<200x128xi32, #tpu.memory_space<vmem>> -> memref<1x128xi32, #tpu.memory_space<vmem>>
    %dma_start3A_13 = tpu.memref_squeeze %dma_start3A_12 : memref<1x128xi32, #tpu.memory_space<vmem>> -> memref<128xi32, #tpu.memory_space<vmem>>
    %dma_start3A_14 = arith.constant 0 : i32
    %dma_start3A_15 = arith.constant 0 : i32
    %dma_start3A_16 = tpu.memref_slice %arg3[%dma_start3A_14, %dma_start3A_15] : memref<1000000x64xf32, #tpu.memory_space<hbm>> -> memref<1000000x64xf32, #tpu.memory_space<hbm>>
    tpu.enqueue_indirect_dma source(%dma_start3A_16 : memref<1000000x64xf32, #tpu.memory_space<hbm>>) target(%arg8 : memref<128x64xf32, #tpu.memory_space<vmem>>) offsets(%dma_start3A_13 : memref<128xi32, #tpu.memory_space<vmem>>) semaphore(%arg12 : memref<!tpu.dma_semaphore, #tpu.memory_space<semaphore_mem>>)
    %dma_start3A_17 = arith.constant 1 : i32
    %dma_start3A_18 = arith.constant 0 : i32
    %dma_start3A_19 = tpu.memref_slice %arg6[%dma_start3A_17, %dma_start3A_18] : memref<200x128xi32, #tpu.memory_space<vmem>> -> memref<1x128xi32, #tpu.memory_space<vmem>>
    %dma_start3A_20 = tpu.memref_squeeze %dma_start3A_19 : memref<1x128xi32, #tpu.memory_space<vmem>> -> memref<128xi32, #tpu.memory_space<vmem>>
    %dma_start3A_21 = arith.constant 0 : i32
    %dma_start3A_22 = arith.constant 0 : i32
    %dma_start3A_23 = tpu.memref_slice %arg3[%dma_start3A_21, %dma_start3A_22] : memref<1000000x64xf32, #tpu.memory_space<hbm>> -> memref<1000000x64xf32, #tpu.memory_space<hbm>>
    tpu.enqueue_indirect_dma source(%dma_start3A_23 : memref<1000000x64xf32, #tpu.memory_space<hbm>>) target(%arg9 : memref<128x64xf32, #tpu.memory_space<vmem>>) offsets(%dma_start3A_20 : memref<128xi32, #tpu.memory_space<vmem>>) semaphore(%arg13 : memref<!tpu.dma_semaphore, #tpu.memory_space<semaphore_mem>>)
    %scan3A = arith.constant 0 : i32
    %scan3A_24 = arith.constant 100 : i32
    %scan3A_25 = arith.addi %scan3A, %scan3A_24 : i32
    %scan3A_26 = arith.constant 1 : i32
    scf.for %scan3A_39 = %scan3A to %scan3A_25 step %scan3A_26  : i32 {
      %mul3A_40 = arith.constant 2 : i32
      %mul3A_41 = arith.muli %scan3A_39, %mul3A_40 : i32
      %add3A_42 = arith.constant 0 : i32
      %add3A_43 = arith.addi %add3A_42, %mul3A_41 : i32
      %add3A_44 = arith.constant 0 : i32
      %add3A_45 = arith.addi %add3A_43, %add3A_44 : i32
      %dma_wait3A_46 = arith.constant 0 : i32
      %dma_wait3A_47 = tpu.memref_slice %arg6[%add3A_45, %dma_wait3A_46] : memref<200x128xi32, #tpu.memory_space<vmem>> -> memref<1x128xi32, #tpu.memory_space<vmem>>
      %dma_wait3A_48 = tpu.memref_squeeze %dma_wait3A_47 : memref<1x128xi32, #tpu.memory_space<vmem>> -> memref<128xi32, #tpu.memory_space<vmem>>
      %dma_wait3A_49 = arith.constant 0 : i32
      %dma_wait3A_50 = arith.constant 0 : i32
      %dma_wait3A_51 = tpu.memref_slice %arg3[%dma_wait3A_49, %dma_wait3A_50] : memref<1000000x64xf32, #tpu.memory_space<hbm>> -> memref<1000000x64xf32, #tpu.memory_space<hbm>>
      tpu.wait_indirect_dma semaphore(%arg12 : memref<!tpu.dma_semaphore, #tpu.memory_space<semaphore_mem>>) src(%dma_wait3A_51 : memref<1000000x64xf32, #tpu.memory_space<hbm>>) dst(%arg8 : memref<128x64xf32, #tpu.memory_space<vmem>>)
      %ge3A = arith.constant 2 : i32
      %ge3A_52 = arith.cmpi sge, %add3A_45, %ge3A : i32
      %convert_element_type3A = arith.extui %ge3A_52 : i1 to i32
      %cond3A = arith.constant 0 : i32
      %cond3A_53 = arith.cmpi ne, %convert_element_type3A, %cond3A : i32
      scf.if %cond3A_53 {
        %sub3A = arith.constant 2 : i32
        %sub3A_107 = arith.subi %add3A_45, %sub3A : i32
        %mul3A_108 = arith.constant 128 : i32
        %mul3A_109 = arith.muli %sub3A_107, %mul3A_108 : i32
        %add3A_110 = arith.addi %mul3A_4, %mul3A_109 : i32
        %dma_wait3A_111 = arith.constant 0 : i32
        %dma_wait3A_112 = tpu.memref_slice %arg5[%add3A_110, %dma_wait3A_111] : memref<819200x128xf32, #tpu.memory_space<hbm>> -> memref<128x128xf32, #tpu.memory_space<hbm>>
        %dma_wait3A_113 = arith.constant 0 : i32
        %dma_wait3A_114 = tpu.memref_slice %arg5[%add3A_110, %dma_wait3A_113] : memref<819200x128xf32, #tpu.memory_space<hbm>> -> memref<128x128xf32, #tpu.memory_space<hbm>>
        tpu.wait_dma2 semaphore(%arg14 : memref<!tpu.dma_semaphore, #tpu.memory_space<semaphore_mem>>) src(%arg10 : memref<128x128xf32, #tpu.memory_space<vmem>>) dst(%dma_wait3A_114 : memref<128x128xf32, #tpu.memory_space<hbm>>)
      } else {
      }
      %mul3A_54 = arith.constant 128 : i32
      %mul3A_55 = arith.muli %add3A_45, %mul3A_54 : i32
      %rem3A = arith.constant 200 : i32
      %rem3A_56 = arith.remsi %mul3A_55, %rem3A : i32
      %parallel_loop3A_57 = arith.constant 0 : i32
      %parallel_loop3A_58 = arith.constant 128 : i32
      %parallel_loop3A_59 = arith.constant 1 : i32
      scf.for %parallel_loop3A_107 = %parallel_loop3A_57 to %parallel_loop3A_58 step %parallel_loop3A_59  : i32 {
        %parallel_loop3A_108 = arith.index_cast %parallel_loop3A_107 : i32 to index
        %parallel_loop3A_109 = arith.constant 0 : index
        %parallel_loop3A_110 = tpu.vector_load %arg8[%parallel_loop3A_108, %parallel_loop3A_109] {strides = array<i32>} : memref<128x64xf32, #tpu.memory_space<vmem>>, vector<1x16xf32>,
        %parallel_loop3A_111 = vector.shape_cast %parallel_loop3A_110 : vector<1x16xf32> to vector<16xf32>
        %parallel_loop3A_112 = arith.addi %rem3A_56, %parallel_loop3A_107 : i32
        %parallel_loop3A_113 = arith.index_cast %parallel_loop3A_112 : i32 to index
        %parallel_loop3A_114 = arith.constant 0 : index
        %parallel_loop3A_115 = tpu.vector_load %arg7[%parallel_loop3A_113, %parallel_loop3A_114] {strides = array<i32>} : memref<328x64xf32, #tpu.memory_space<vmem>>, vector<1x16xf32>,
        %parallel_loop3A_116 = vector.shape_cast %parallel_loop3A_115 : vector<1x16xf32> to vector<16xf32>
        %parallel_loop3A_117 = arith.addf %parallel_loop3A_111, %parallel_loop3A_116 : vector<16xf32>
        %parallel_loop3A_118 = arith.index_cast %parallel_loop3A_107 : i32 to index
        %parallel_loop3A_119 = arith.constant 0 : index
        %parallel_loop3A_120 = tpu.vector_load %arg10[%parallel_loop3A_118, %parallel_loop3A_119] {strides = array<i32>} : memref<128x128xf32, #tpu.memory_space<vmem>>, vector<1x16xf32>,
        %parallel_loop3A_121 = vector.shape_cast %parallel_loop3A_120 : vector<1x16xf32> to vector<16xf32>
        %parallel_loop3A_122 = vector.shape_cast %parallel_loop3A_117 : vector<16xf32> to vector<1x16xf32>
        tpu.vector_store %arg10[%parallel_loop3A_118, %parallel_loop3A_119], %parallel_loop3A_122 {strides = array<i32>} : memref<128x128xf32, #tpu.memory_space<vmem>>, vector<1x16xf32>,
        %parallel_loop3A_123 = arith.index_cast %parallel_loop3A_107 : i32 to index
        %parallel_loop3A_124 = arith.constant 16 : index
        %parallel_loop3A_125 = tpu.vector_load %arg8[%parallel_loop3A_123, %parallel_loop3A_124] {strides = array<i32>} : memref<128x64xf32, #tpu.memory_space<vmem>>, vector<1x16xf32>,
        %parallel_loop3A_126 = vector.shape_cast %parallel_loop3A_125 : vector<1x16xf32> to vector<16xf32>
        %parallel_loop3A_127 = arith.addi %rem3A_56, %parallel_loop3A_107 : i32
        %parallel_loop3A_128 = arith.index_cast %parallel_loop3A_127 : i32 to index
        %parallel_loop3A_129 = arith.constant 16 : index
        %parallel_loop3A_130 = tpu.vector_load %arg7[%parallel_loop3A_128, %parallel_loop3A_129] {strides = array<i32>} : memref<328x64xf32, #tpu.memory_space<vmem>>, vector<1x16xf32>,
        %parallel_loop3A_131 = vector.shape_cast %parallel_loop3A_130 : vector<1x16xf32> to vector<16xf32>
        %parallel_loop3A_132 = arith.addf %parallel_loop3A_126, %parallel_loop3A_131 : vector<16xf32>
        %parallel_loop3A_133 = arith.index_cast %parallel_loop3A_107 : i32 to index
        %parallel_loop3A_134 = arith.constant 16 : index
        %parallel_loop3A_135 = tpu.vector_load %arg10[%parallel_loop3A_133, %parallel_loop3A_134] {strides = array<i32>} : memref<128x128xf32, #tpu.memory_space<vmem>>, vector<1x16xf32>,
        %parallel_loop3A_136 = vector.shape_cast %parallel_loop3A_135 : vector<1x16xf32> to vector<16xf32>
        %parallel_loop3A_137 = vector.shape_cast %parallel_loop3A_132 : vector<16xf32> to vector<1x16xf32>
        tpu.vector_store %arg10[%parallel_loop3A_133, %parallel_loop3A_134], %parallel_loop3A_137 {strides = array<i32>} : memref<128x128xf32, #tpu.memory_space<vmem>>, vector<1x16xf32>,
        %parallel_loop3A_138 = arith.index_cast %parallel_loop3A_107 : i32 to index
        %parallel_loop3A_139 = arith.constant 32 : index
        %parallel_loop3A_140 = tpu.vector_load %arg8[%parallel_loop3A_138, %parallel_loop3A_139] {strides = array<i32>} : memref<128x64xf32, #tpu.memory_space<vmem>>, vector<1x16xf32>,
        %parallel_loop3A_141 = vector.shape_cast %parallel_loop3A_140 : vector<1x16xf32> to vector<16xf32>
        %parallel_loop3A_142 = arith.addi %rem3A_56, %parallel_loop3A_107 : i32
        %parallel_loop3A_143 = arith.index_cast %parallel_loop3A_142 : i32 to index
        %parallel_loop3A_144 = arith.constant 32 : index
        %parallel_loop3A_145 = tpu.vector_load %arg7[%parallel_loop3A_143, %parallel_loop3A_144] {strides = array<i32>} : memref<328x64xf32, #tpu.memory_space<vmem>>, vector<1x16xf32>,
        %parallel_loop3A_146 = vector.shape_cast %parallel_loop3A_145 : vector<1x16xf32> to vector<16xf32>
        %parallel_loop3A_147 = arith.addf %parallel_loop3A_141, %parallel_loop3A_146 : vector<16xf32>
        %parallel_loop3A_148 = arith.index_cast %parallel_loop3A_107 : i32 to index
        %parallel_loop3A_149 = arith.constant 32 : index
        %parallel_loop3A_150 = tpu.vector_load %arg10[%parallel_loop3A_148, %parallel_loop3A_149] {strides = array<i32>} : memref<128x128xf32, #tpu.memory_space<vmem>>, vector<1x16xf32>,
        %parallel_loop3A_151 = vector.shape_cast %parallel_loop3A_150 : vector<1x16xf32> to vector<16xf32>
        %parallel_loop3A_152 = vector.shape_cast %parallel_loop3A_147 : vector<16xf32> to vector<1x16xf32>
        tpu.vector_store %arg10[%parallel_loop3A_148, %parallel_loop3A_149], %parallel_loop3A_152 {strides = array<i32>} : memref<128x128xf32, #tpu.memory_space<vmem>>, vector<1x16xf32>,
        %parallel_loop3A_153 = arith.index_cast %parallel_loop3A_107 : i32 to index
        %parallel_loop3A_154 = arith.constant 48 : index
        %parallel_loop3A_155 = tpu.vector_load %arg8[%parallel_loop3A_153, %parallel_loop3A_154] {strides = array<i32>} : memref<128x64xf32, #tpu.memory_space<vmem>>, vector<1x16xf32>,
        %parallel_loop3A_156 = vector.shape_cast %parallel_loop3A_155 : vector<1x16xf32> to vector<16xf32>
        %parallel_loop3A_157 = arith.addi %rem3A_56, %parallel_loop3A_107 : i32
        %parallel_loop3A_158 = arith.index_cast %parallel_loop3A_157 : i32 to index
        %parallel_loop3A_159 = arith.constant 48 : index
        %parallel_loop3A_160 = tpu.vector_load %arg7[%parallel_loop3A_158, %parallel_loop3A_159] {strides = array<i32>} : memref<328x64xf32, #tpu.memory_space<vmem>>, vector<1x16xf32>,
        %parallel_loop3A_161 = vector.shape_cast %parallel_loop3A_160 : vector<1x16xf32> to vector<16xf32>
        %parallel_loop3A_162 = arith.addf %parallel_loop3A_156, %parallel_loop3A_161 : vector<16xf32>
        %parallel_loop3A_163 = arith.index_cast %parallel_loop3A_107 : i32 to index
        %parallel_loop3A_164 = arith.constant 48 : index
        %parallel_loop3A_165 = tpu.vector_load %arg10[%parallel_loop3A_163, %parallel_loop3A_164] {strides = array<i32>} : memref<128x128xf32, #tpu.memory_space<vmem>>, vector<1x16xf32>,
        %parallel_loop3A_166 = vector.shape_cast %parallel_loop3A_165 : vector<1x16xf32> to vector<16xf32>
        %parallel_loop3A_167 = vector.shape_cast %parallel_loop3A_162 : vector<16xf32> to vector<1x16xf32>
        tpu.vector_store %arg10[%parallel_loop3A_163, %parallel_loop3A_164], %parallel_loop3A_167 {strides = array<i32>} : memref<128x128xf32, #tpu.memory_space<vmem>>, vector<1x16xf32>,
      } {sc.loop_unroll_factor = 8 : i64, sc.parallel_access}
      %add3A_60 = arith.constant 2 : i32
      %add3A_61 = arith.addi %add3A_45, %add3A_60 : i32
      %lt3A = arith.constant 200 : i32
      %lt3A_62 = arith.cmpi slt, %add3A_61, %lt3A : i32
      %convert_element_type3A_63 = arith.extui %lt3A_62 : i1 to i32
      %cond3A_64 = arith.constant 0 : i32
      %cond3A_65 = arith.cmpi ne, %convert_element_type3A_63, %cond3A_64 : i32
      scf.if %cond3A_65 {
        %add3A_107 = arith.constant 2 : i32
        %add3A_108 = arith.addi %add3A_45, %add3A_107 : i32
        %dma_start3A_109 = arith.constant 0 : i32
        %dma_start3A_110 = tpu.memref_slice %arg6[%add3A_108, %dma_start3A_109] : memref<200x128xi32, #tpu.memory_space<vmem>> -> memref<1x128xi32, #tpu.memory_space<vmem>>
        %dma_start3A_111 = tpu.memref_squeeze %dma_start3A_110 : memref<1x128xi32, #tpu.memory_space<vmem>> -> memref<128xi32, #tpu.memory_space<vmem>>
        %dma_start3A_112 = arith.constant 0 : i32
        %dma_start3A_113 = arith.constant 0 : i32
        %dma_start3A_114 = tpu.memref_slice %arg3[%dma_start3A_112, %dma_start3A_113] : memref<1000000x64xf32, #tpu.memory_space<hbm>> -> memref<1000000x64xf32, #tpu.memory_space<hbm>>
        tpu.enqueue_indirect_dma source(%dma_start3A_114 : memref<1000000x64xf32, #tpu.memory_space<hbm>>) target(%arg8 : memref<128x64xf32, #tpu.memory_space<vmem>>) offsets(%dma_start3A_111 : memref<128xi32, #tpu.memory_space<vmem>>) semaphore(%arg12 : memref<!tpu.dma_semaphore, #tpu.memory_space<semaphore_mem>>)
      } else {
      }
      %mul3A_66 = arith.constant 128 : i32
      %mul3A_67 = arith.muli %add3A_45, %mul3A_66 : i32
      %add3A_68 = arith.addi %mul3A_4, %mul3A_67 : i32
      %dma_start3A_69 = arith.constant 0 : i32
      %dma_start3A_70 = tpu.memref_slice %arg5[%add3A_68, %dma_start3A_69] : memref<819200x128xf32, #tpu.memory_space<hbm>> -> memref<128x128xf32, #tpu.memory_space<hbm>>
      %dma_start3A_71 = arith.constant 0 : i32
      %dma_start3A_72 = tpu.memref_slice %arg5[%add3A_68, %dma_start3A_71] : memref<819200x128xf32, #tpu.memory_space<hbm>> -> memref<128x128xf32, #tpu.memory_space<hbm>>
      tpu.enqueue_dma source(%arg10 : memref<128x128xf32, #tpu.memory_space<vmem>>) target(%dma_start3A_72 : memref<128x128xf32, #tpu.memory_space<hbm>>) target_semaphore(%arg14 : memref<!tpu.dma_semaphore, #tpu.memory_space<semaphore_mem>>)
      %add3A_73 = arith.constant 1 : i32
      %add3A_74 = arith.addi %add3A_43, %add3A_73 : i32
      %dma_wait3A_75 = arith.constant 0 : i32
      %dma_wait3A_76 = tpu.memref_slice %arg6[%add3A_74, %dma_wait3A_75] : memref<200x128xi32, #tpu.memory_space<vmem>> -> memref<1x128xi32, #tpu.memory_space<vmem>>
      %dma_wait3A_77 = tpu.memref_squeeze %dma_wait3A_76 : memref<1x128xi32, #tpu.memory_space<vmem>> -> memref<128xi32, #tpu.memory_space<vmem>>
      %dma_wait3A_78 = arith.constant 0 : i32
      %dma_wait3A_79 = arith.constant 0 : i32
      %dma_wait3A_80 = tpu.memref_slice %arg3[%dma_wait3A_78, %dma_wait3A_79] : memref<1000000x64xf32, #tpu.memory_space<hbm>> -> memref<1000000x64xf32, #tpu.memory_space<hbm>>
      tpu.wait_indirect_dma semaphore(%arg13 : memref<!tpu.dma_semaphore, #tpu.memory_space<semaphore_mem>>) src(%dma_wait3A_80 : memref<1000000x64xf32, #tpu.memory_space<hbm>>) dst(%arg9 : memref<128x64xf32, #tpu.memory_space<vmem>>)
      %ge3A_81 = arith.constant 2 : i32
      %ge3A_82 = arith.cmpi sge, %add3A_74, %ge3A_81 : i32
      %convert_element_type3A_83 = arith.extui %ge3A_82 : i1 to i32
      %cond3A_84 = arith.constant 0 : i32
      %cond3A_85 = arith.cmpi ne, %convert_element_type3A_83, %cond3A_84 : i32
      scf.if %cond3A_85 {
        %sub3A = arith.constant 2 : i32
        %sub3A_107 = arith.subi %add3A_74, %sub3A : i32
        %mul3A_108 = arith.constant 128 : i32
        %mul3A_109 = arith.muli %sub3A_107, %mul3A_108 : i32
        %add3A_110 = arith.addi %mul3A_4, %mul3A_109 : i32
        %dma_wait3A_111 = arith.constant 0 : i32
        %dma_wait3A_112 = tpu.memref_slice %arg5[%add3A_110, %dma_wait3A_111] : memref<819200x128xf32, #tpu.memory_space<hbm>> -> memref<128x128xf32, #tpu.memory_space<hbm>>
        %dma_wait3A_113 = arith.constant 0 : i32
        %dma_wait3A_114 = tpu.memref_slice %arg5[%add3A_110, %dma_wait3A_113] : memref<819200x128xf32, #tpu.memory_space<hbm>> -> memref<128x128xf32, #tpu.memory_space<hbm>>
        tpu.wait_dma2 semaphore(%arg15 : memref<!tpu.dma_semaphore, #tpu.memory_space<semaphore_mem>>) src(%arg11 : memref<128x128xf32, #tpu.memory_space<vmem>>) dst(%dma_wait3A_114 : memref<128x128xf32, #tpu.memory_space<hbm>>)
      } else {
      }
      %mul3A_86 = arith.constant 128 : i32
      %mul3A_87 = arith.muli %add3A_74, %mul3A_86 : i32
      %rem3A_88 = arith.constant 200 : i32
      %rem3A_89 = arith.remsi %mul3A_87, %rem3A_88 : i32
      %parallel_loop3A_90 = arith.constant 0 : i32
      %parallel_loop3A_91 = arith.constant 128 : i32
      %parallel_loop3A_92 = arith.constant 1 : i32
      scf.for %parallel_loop3A_107 = %parallel_loop3A_90 to %parallel_loop3A_91 step %parallel_loop3A_92  : i32 {
        %parallel_loop3A_108 = arith.index_cast %parallel_loop3A_107 : i32 to index
        %parallel_loop3A_109 = arith.constant 0 : index
        %parallel_loop3A_110 = tpu.vector_load %arg9[%parallel_loop3A_108, %parallel_loop3A_109] {strides = array<i32>} : memref<128x64xf32, #tpu.memory_space<vmem>>, vector<1x16xf32>,
        %parallel_loop3A_111 = vector.shape_cast %parallel_loop3A_110 : vector<1x16xf32> to vector<16xf32>
        %parallel_loop3A_112 = arith.addi %rem3A_89, %parallel_loop3A_107 : i32
        %parallel_loop3A_113 = arith.index_cast %parallel_loop3A_112 : i32 to index
        %parallel_loop3A_114 = arith.constant 0 : index
        %parallel_loop3A_115 = tpu.vector_load %arg7[%parallel_loop3A_113, %parallel_loop3A_114] {strides = array<i32>} : memref<328x64xf32, #tpu.memory_space<vmem>>, vector<1x16xf32>,
        %parallel_loop3A_116 = vector.shape_cast %parallel_loop3A_115 : vector<1x16xf32> to vector<16xf32>
        %parallel_loop3A_117 = arith.addf %parallel_loop3A_111, %parallel_loop3A_116 : vector<16xf32>
        %parallel_loop3A_118 = arith.index_cast %parallel_loop3A_107 : i32 to index
        %parallel_loop3A_119 = arith.constant 0 : index
        %parallel_loop3A_120 = tpu.vector_load %arg11[%parallel_loop3A_118, %parallel_loop3A_119] {strides = array<i32>} : memref<128x128xf32, #tpu.memory_space<vmem>>, vector<1x16xf32>,
        %parallel_loop3A_121 = vector.shape_cast %parallel_loop3A_120 : vector<1x16xf32> to vector<16xf32>
        %parallel_loop3A_122 = vector.shape_cast %parallel_loop3A_117 : vector<16xf32> to vector<1x16xf32>
        tpu.vector_store %arg11[%parallel_loop3A_118, %parallel_loop3A_119], %parallel_loop3A_122 {strides = array<i32>} : memref<128x128xf32, #tpu.memory_space<vmem>>, vector<1x16xf32>,
        %parallel_loop3A_123 = arith.index_cast %parallel_loop3A_107 : i32 to index
        %parallel_loop3A_124 = arith.constant 16 : index
        %parallel_loop3A_125 = tpu.vector_load %arg9[%parallel_loop3A_123, %parallel_loop3A_124] {strides = array<i32>} : memref<128x64xf32, #tpu.memory_space<vmem>>, vector<1x16xf32>,
        %parallel_loop3A_126 = vector.shape_cast %parallel_loop3A_125 : vector<1x16xf32> to vector<16xf32>
        %parallel_loop3A_127 = arith.addi %rem3A_89, %parallel_loop3A_107 : i32
        %parallel_loop3A_128 = arith.index_cast %parallel_loop3A_127 : i32 to index
        %parallel_loop3A_129 = arith.constant 16 : index
        %parallel_loop3A_130 = tpu.vector_load %arg7[%parallel_loop3A_128, %parallel_loop3A_129] {strides = array<i32>} : memref<328x64xf32, #tpu.memory_space<vmem>>, vector<1x16xf32>,
        %parallel_loop3A_131 = vector.shape_cast %parallel_loop3A_130 : vector<1x16xf32> to vector<16xf32>
        %parallel_loop3A_132 = arith.addf %parallel_loop3A_126, %parallel_loop3A_131 : vector<16xf32>
        %parallel_loop3A_133 = arith.index_cast %parallel_loop3A_107 : i32 to index
        %parallel_loop3A_134 = arith.constant 16 : index
        %parallel_loop3A_135 = tpu.vector_load %arg11[%parallel_loop3A_133, %parallel_loop3A_134] {strides = array<i32>} : memref<128x128xf32, #tpu.memory_space<vmem>>, vector<1x16xf32>,
        %parallel_loop3A_136 = vector.shape_cast %parallel_loop3A_135 : vector<1x16xf32> to vector<16xf32>
        %parallel_loop3A_137 = vector.shape_cast %parallel_loop3A_132 : vector<16xf32> to vector<1x16xf32>
        tpu.vector_store %arg11[%parallel_loop3A_133, %parallel_loop3A_134], %parallel_loop3A_137 {strides = array<i32>} : memref<128x128xf32, #tpu.memory_space<vmem>>, vector<1x16xf32>,
        %parallel_loop3A_138 = arith.index_cast %parallel_loop3A_107 : i32 to index
        %parallel_loop3A_139 = arith.constant 32 : index
        %parallel_loop3A_140 = tpu.vector_load %arg9[%parallel_loop3A_138, %parallel_loop3A_139] {strides = array<i32>} : memref<128x64xf32, #tpu.memory_space<vmem>>, vector<1x16xf32>,
        %parallel_loop3A_141 = vector.shape_cast %parallel_loop3A_140 : vector<1x16xf32> to vector<16xf32>
        %parallel_loop3A_142 = arith.addi %rem3A_89, %parallel_loop3A_107 : i32
        %parallel_loop3A_143 = arith.index_cast %parallel_loop3A_142 : i32 to index
        %parallel_loop3A_144 = arith.constant 32 : index
        %parallel_loop3A_145 = tpu.vector_load %arg7[%parallel_loop3A_143, %parallel_loop3A_144] {strides = array<i32>} : memref<328x64xf32, #tpu.memory_space<vmem>>, vector<1x16xf32>,
        %parallel_loop3A_146 = vector.shape_cast %parallel_loop3A_145 : vector<1x16xf32> to vector<16xf32>
        %parallel_loop3A_147 = arith.addf %parallel_loop3A_141, %parallel_loop3A_146 : vector<16xf32>
        %parallel_loop3A_148 = arith.index_cast %parallel_loop3A_107 : i32 to index
        %parallel_loop3A_149 = arith.constant 32 : index
        %parallel_loop3A_150 = tpu.vector_load %arg11[%parallel_loop3A_148, %parallel_loop3A_149] {strides = array<i32>} : memref<128x128xf32, #tpu.memory_space<vmem>>, vector<1x16xf32>,
        %parallel_loop3A_151 = vector.shape_cast %parallel_loop3A_150 : vector<1x16xf32> to vector<16xf32>
        %parallel_loop3A_152 = vector.shape_cast %parallel_loop3A_147 : vector<16xf32> to vector<1x16xf32>
        tpu.vector_store %arg11[%parallel_loop3A_148, %parallel_loop3A_149], %parallel_loop3A_152 {strides = array<i32>} : memref<128x128xf32, #tpu.memory_space<vmem>>, vector<1x16xf32>,
        %parallel_loop3A_153 = arith.index_cast %parallel_loop3A_107 : i32 to index
        %parallel_loop3A_154 = arith.constant 48 : index
        %parallel_loop3A_155 = tpu.vector_load %arg9[%parallel_loop3A_153, %parallel_loop3A_154] {strides = array<i32>} : memref<128x64xf32, #tpu.memory_space<vmem>>, vector<1x16xf32>,
        %parallel_loop3A_156 = vector.shape_cast %parallel_loop3A_155 : vector<1x16xf32> to vector<16xf32>
        %parallel_loop3A_157 = arith.addi %rem3A_89, %parallel_loop3A_107 : i32
        %parallel_loop3A_158 = arith.index_cast %parallel_loop3A_157 : i32 to index
        %parallel_loop3A_159 = arith.constant 48 : index
        %parallel_loop3A_160 = tpu.vector_load %arg7[%parallel_loop3A_158, %parallel_loop3A_159] {strides = array<i32>} : memref<328x64xf32, #tpu.memory_space<vmem>>, vector<1x16xf32>,
        %parallel_loop3A_161 = vector.shape_cast %parallel_loop3A_160 : vector<1x16xf32> to vector<16xf32>
        %parallel_loop3A_162 = arith.addf %parallel_loop3A_156, %parallel_loop3A_161 : vector<16xf32>
        %parallel_loop3A_163 = arith.index_cast %parallel_loop3A_107 : i32 to index
        %parallel_loop3A_164 = arith.constant 48 : index
        %parallel_loop3A_165 = tpu.vector_load %arg11[%parallel_loop3A_163, %parallel_loop3A_164] {strides = array<i32>} : memref<128x128xf32, #tpu.memory_space<vmem>>, vector<1x16xf32>,
        %parallel_loop3A_166 = vector.shape_cast %parallel_loop3A_165 : vector<1x16xf32> to vector<16xf32>
        %parallel_loop3A_167 = vector.shape_cast %parallel_loop3A_162 : vector<16xf32> to vector<1x16xf32>
        tpu.vector_store %arg11[%parallel_loop3A_163, %parallel_loop3A_164], %parallel_loop3A_167 {strides = array<i32>} : memref<128x128xf32, #tpu.memory_space<vmem>>, vector<1x16xf32>,
      } {sc.loop_unroll_factor = 8 : i64, sc.parallel_access}
      %add3A_93 = arith.constant 2 : i32
      %add3A_94 = arith.addi %add3A_74, %add3A_93 : i32
      %lt3A_95 = arith.constant 200 : i32
      %lt3A_96 = arith.cmpi slt, %add3A_94, %lt3A_95 : i32
      %convert_element_type3A_97 = arith.extui %lt3A_96 : i1 to i32
      %cond3A_98 = arith.constant 0 : i32
      %cond3A_99 = arith.cmpi ne, %convert_element_type3A_97, %cond3A_98 : i32
      scf.if %cond3A_99 {
        %add3A_107 = arith.constant 2 : i32
        %add3A_108 = arith.addi %add3A_74, %add3A_107 : i32
        %dma_start3A_109 = arith.constant 0 : i32
        %dma_start3A_110 = tpu.memref_slice %arg6[%add3A_108, %dma_start3A_109] : memref<200x128xi32, #tpu.memory_space<vmem>> -> memref<1x128xi32, #tpu.memory_space<vmem>>
        %dma_start3A_111 = tpu.memref_squeeze %dma_start3A_110 : memref<1x128xi32, #tpu.memory_space<vmem>> -> memref<128xi32, #tpu.memory_space<vmem>>
        %dma_start3A_112 = arith.constant 0 : i32
        %dma_start3A_113 = arith.constant 0 : i32
        %dma_start3A_114 = tpu.memref_slice %arg3[%dma_start3A_112, %dma_start3A_113] : memref<1000000x64xf32, #tpu.memory_space<hbm>> -> memref<1000000x64xf32, #tpu.memory_space<hbm>>
        tpu.enqueue_indirect_dma source(%dma_start3A_114 : memref<1000000x64xf32, #tpu.memory_space<hbm>>) target(%arg9 : memref<128x64xf32, #tpu.memory_space<vmem>>) offsets(%dma_start3A_111 : memref<128xi32, #tpu.memory_space<vmem>>) semaphore(%arg13 : memref<!tpu.dma_semaphore, #tpu.memory_space<semaphore_mem>>)
      } else {
      }
      %mul3A_100 = arith.constant 128 : i32
      %mul3A_101 = arith.muli %add3A_74, %mul3A_100 : i32
      %add3A_102 = arith.addi %mul3A_4, %mul3A_101 : i32
      %dma_start3A_103 = arith.constant 0 : i32
      %dma_start3A_104 = tpu.memref_slice %arg5[%add3A_102, %dma_start3A_103] : memref<819200x128xf32, #tpu.memory_space<hbm>> -> memref<128x128xf32, #tpu.memory_space<hbm>>
      %dma_start3A_105 = arith.constant 0 : i32
      %dma_start3A_106 = tpu.memref_slice %arg5[%add3A_102, %dma_start3A_105] : memref<819200x128xf32, #tpu.memory_space<hbm>> -> memref<128x128xf32, #tpu.memory_space<hbm>>
      tpu.enqueue_dma source(%arg11 : memref<128x128xf32, #tpu.memory_space<vmem>>) target(%dma_start3A_106 : memref<128x128xf32, #tpu.memory_space<hbm>>) target_semaphore(%arg15 : memref<!tpu.dma_semaphore, #tpu.memory_space<semaphore_mem>>)
    }
    %scan3A_27 = arith.constant 100 : i32
    %add3A_28 = arith.constant 25344 : i32
    %add3A_29 = arith.addi %mul3A_4, %add3A_28 : i32
    %dma_wait3A = arith.constant 0 : i32
    %dma_wait3A_30 = tpu.memref_slice %arg5[%add3A_29, %dma_wait3A] : memref<819200x128xf32, #tpu.memory_space<hbm>> -> memref<128x128xf32, #tpu.memory_space<hbm>>
    %dma_wait3A_31 = arith.constant 0 : i32
    %dma_wait3A_32 = tpu.memref_slice %arg5[%add3A_29, %dma_wait3A_31] : memref<819200x128xf32, #tpu.memory_space<hbm>> -> memref<128x128xf32, #tpu.memory_space<hbm>>
    tpu.wait_dma2 semaphore(%arg14 : memref<!tpu.dma_semaphore, #tpu.memory_space<semaphore_mem>>) src(%arg10 : memref<128x128xf32, #tpu.memory_space<vmem>>) dst(%dma_wait3A_32 : memref<128x128xf32, #tpu.memory_space<hbm>>)
    %add3A_33 = arith.constant 25472 : i32
    %add3A_34 = arith.addi %mul3A_4, %add3A_33 : i32
    %dma_wait3A_35 = arith.constant 0 : i32
    %dma_wait3A_36 = tpu.memref_slice %arg5[%add3A_34, %dma_wait3A_35] : memref<819200x128xf32, #tpu.memory_space<hbm>> -> memref<128x128xf32, #tpu.memory_space<hbm>>
    %dma_wait3A_37 = arith.constant 0 : i32
    %dma_wait3A_38 = tpu.memref_slice %arg5[%add3A_34, %dma_wait3A_37] : memref<819200x128xf32, #tpu.memory_space<hbm>> -> memref<128x128xf32, #tpu.memory_space<hbm>>
    tpu.wait_dma2 semaphore(%arg15 : memref<!tpu.dma_semaphore, #tpu.memory_space<semaphore_mem>>) src(%arg11 : memref<128x128xf32, #tpu.memory_space<vmem>>) dst(%dma_wait3A_38 : memref<128x128xf32, #tpu.memory_space<hbm>>)
    return
  }
}

</mosaic_0001>

<sc_bundles>
// kernel: kernel.3.cloned.1.call-start
scs
__scs_entry_jumppad:
0x0: {  	(pc) =	sbr.rel $0x88, $3  }
0x1: {  	(tag) =	ssettag $0x0;
	lr =	simm.s32 $0x1  }
0x2: {  	[smem:$0x3F9F] =	sst lr;
	_ =	strace $0xD0000000  }
0x3: {  	_ = 	snop  }
0x4: {  	_ = 	snop  }
0x5: {  	_ = 	snop  }
0x6: {  	_ = 	snop  }
0x7: {  	_ = 	snop  }
__scs_overlays_trampoline_lowered:
0x8: {  	[smem:$0x3FAE] =	sst s0  }
0x9: {  	[smem:$0x3FAF] =	sst s1  }
0xa: {  	[smem:$0x3FB0] =	sst s2  }
0xb: {  	[smem:$0x3FB1] =	sst s3  }
0xc: {  	[smem:$0x3FB2] =	sst s4  }
0xd: {  	[smem:$0x3FB3] =	sst s5  }
0xe: {  	[smem:$0x3FB4] =	sst s6  }
0xf: {  	[smem:$0x3FB5] =	sst s7  }
0x10: {  	[smem:$0x3FB6] =	sst s8  }
0x11: {  	[smem:$0x3FB7] =	sst s9;
	s0 =	simm.s32 @!p0 $0x0  }
0x12: {  	s1 =	sld [smem:$0x3F9D];
	s0 =	simm.s32 @p0 $0x1  }
0x13: {  	[smem:$0x3FB8] =	sst s0;
	s0 =	simm.s32 @!p1 $0x0  }
0x14: {  	s2 =	sld [smem:$0x3F9C];
	s0 =	simm.s32 @p1 $0x1  }
0x15: {  	[smem:$0x3FB9] =	sst s0;
	s0 =	simm.s32 @!p2 $0x0  }
0x16: {  	s3 =	sld [smem:$0x3FDB];
	s0 =	simm.s32 @p2 $0x1  }
0x17: {  	s4 =	simm.s32 $0x1BF5;
	[smem:$0x3FBB] =	sst s0  }
0x18: {  	s0 =	sld [smem:$0x3F9E];
	_ =	swait.ge [sflag:s4], $0x0  }
0x19: {  	s7 =	sld [smem:$0x3F9F]  }
0x1a: {  	s8 =	sadd.s32 $0xFFFFE003, lr  }
0x1b: {  	s9 =	sadd.s32 $0xFFFFFEF7, lr;
	s5 =	simm.s32 $0xFFFFFFFF;
	p2 =	slt.u32 s8, $0xFFFFF086  }
0x1c: {  	p1 =	slt.u32 s9, $0xF7A;
	s5 =	simm.s32 @!p2 $0x0  }
0x1d: {  	s5 =	simm.s32 @p1 $0x1;
	p0 =	seq.s32 s7, s2  }
0x1e: {  	s7 =	smul.u32 @!p0 $0xF7A, s2;
	p2 =	seq.s32 @!p0 s5, $0x0  }
0x1f: {  	s9 =	smul.u32 $0xF7A, s1;
	s8 =	simm.s32 @!p0 $0x1BF5;
	p2 =	por !p2, p0  }
0x20: {  	[sflag:s8] =	ssyncset.s32 @!p0 $0xFFFFF086;
	s6 =	sadd.s32 @!p0 s3, s7;
	s7 =	simm.s32 @!p0 $0x108  }
0x21: {  	s3 =	sadd.s32 s3, s9;
	s6 =	sadd.s32 @!p0 $0x88, s6;
	s7 =	simm.s32 @p2 $0x1082  }
0x22: {  	[simem:s7], [sflag:s8] =	dma.local @!p0 [hbm:s6], $0xF7A  }
0x23: {  	s9 =	sor.u32 $0xD0000000, s2;
	s6 =	simm.s32 $0x108;
	_ =	swait.ge @!p0 [sflag:s8], $0x0  }
0x24: {  	s3 =	sadd.s32 $0x88, s3;
	s6 =	simm.s32 @!p1 $0x1082;
	[sflag:s4] =	ssyncset.s32 $0xFFFFF086  }
0x25: {  	[simem:s6], [sflag:s4] =	dma.local [hbm:s3], $0xF7A  }
0x26: {  	[smem:$0x3F9F] =	sst s1;
	(tag) =	ssettag s2;
	_ =	strace s9  }
0x27: {  	s1 =	sld [smem:$0x3FAF]  }
0x28: {  	s2 =	sld [smem:$0x3FB0]  }
0x29: {  	s4 =	sld [smem:$0x3FB2]  }
0x2a: {  	p0 =	seq.s32 s5, $0x0;
	s5 =	sld [smem:$0x3FB3]  }
0x2b: {  	s6 =	sld [smem:$0x3FB4]  }
0x2c: {  	s7 =	sld [smem:$0x3FB5]  }
0x2d: {  	s3 =	simm.s32 $0x108;
	s8 =	sld [smem:$0x3FB6]  }
0x2e: {  	s3 =	simm.s32 @!p0 $0x1082;
	s9 =	sld [smem:$0x3FB7]  }
0x2f: {  	lr =	sadd.s32 s0, s3;
	s0 =	sld [smem:$0x3FAE]  }
0x30: {  	s3 =	sld [smem:$0x3FB1]  }
0x31: {  	[smem:$0x3FBA] =	sst s10  }
0x32: {  	s10 =	sld [smem:$0x3FB8];
	_ =	sdelay $0x3  }
0x33: {  	p0 =	seq.s32 s10, $0x1;
	s10 =	sld [smem:$0x3FBA];
	_ =	sdelay $0x3  }
0x34: {  	[smem:$0x3FBA] =	sst s10  }
0x35: {  	s10 =	sld [smem:$0x3FB9];
	_ =	sdelay $0x3  }
0x36: {  	p1 =	seq.s32 s10, $0x1;
	s10 =	sld [smem:$0x3FBA];
	_ =	sdelay $0x3  }
0x37: {  	[smem:$0x3FBA] =	sst s10  }
0x38: {  	s10 =	sld [smem:$0x3FBB]  }
0x39: {  	_ = 	snop;
	(pc) =	sbr.ind lr, $3  }
0x3a: {  	_ = 	snop  }
0x3b: {  	_ = 	snop  }
0x3c: {  	p2 =	seq.s32 s10, $0x1;
	s10 =	sld [smem:$0x3FBA]  }
0x3d: {  	_ =	shalt  }
0x3e: {  	_ =	shalt  }
0x3f: {  	_ =	shalt  }
0x40: {  	_ =	shalt  }
0x41: {  	_ =	shalt  }
0x42: {  	_ =	shalt  }
0x43: {  	_ =	shalt  }
0x44: {  	_ =	shalt  }
0x45: {  	_ =	shalt  }
0x46: {  	_ =	shalt  }
0x47: {  	_ =	shalt  }
0x48: {  	_ =	shalt  }
0x49: {  	_ =	shalt  }
0x4a: {  	_ =	shalt  }
0x4b: {  	_ =	shalt  }
0x4c: {  	_ =	shalt  }
0x4d: {  	_ =	shalt  }
0x4e: {  	_ =	shalt  }
0x4f: {  	_ =	shalt  }
0x50: {  	_ =	shalt  }
0x51: {  	_ =	shalt  }
0x52: {  	_ =	shalt  }
0x53: {  	_ =	shalt  }
0x54: {  	_ =	shalt  }
0x55: {  	_ =	shalt  }
0x56: {  	_ =	shalt  }
0x57: {  	_ =	shalt  }
0x58: {  	_ =	shalt  }
0x59: {  	_ =	shalt  }
0x5a: {  	_ =	shalt  }
0x5b: {  	_ =	shalt  }
0x5c: {  	_ =	shalt  }
0x5d: {  	_ =	shalt  }
0x5e: {  	_ =	shalt  }
0x5f: {  	_ =	shalt  }
0x60: {  	_ =	shalt  }
0x61: {  	_ =	shalt  }
0x62: {  	_ =	shalt  }
0x63: {  	_ =	shalt  }
0x64: {  	_ =	shalt  }
0x65: {  	_ =	shalt  }
0x66: {  	_ =	shalt  }
0x67: {  	_ =	shalt  }
0x68: {  	_ =	shalt  }
0x69: {  	_ =	shalt  }
0x6a: {  	_ =	shalt  }
0x6b: {  	_ =	shalt  }
0x6c: {  	_ =	shalt  }
0x6d: {  	_ =	shalt  }
0x6e: {  	_ =	shalt  }
0x6f: {  	_ =	shalt  }
0x70: {  	_ =	shalt  }
0x71: {  	_ =	shalt  }
0x72: {  	_ =	shalt  }
0x73: {  	_ =	shalt  }
0x74: {  	_ =	shalt  }
0x75: {  	_ =	shalt  }
0x76: {  	_ =	shalt  }
0x77: {  	_ =	shalt  }
0x78: {  	_ =	shalt  }
0x79: {  	_ =	shalt  }
0x7a: {  	_ =	shalt  }
0x7b: {  	_ =	shalt  }
0x7c: {  	_ =	shalt  }
0x7d: {  	_ =	shalt  }
0x7e: {  	_ =	shalt  }
0x7f: {  	_ =	shalt  }
0x80: {  	_ =	shalt  }
0x81: {  	_ =	shalt  }
0x82: {  	_ =	shalt  }
0x83: {  	_ =	shalt  }
0x84: {  	_ =	shalt  }
0x85: {  	_ =	shalt  }
0x86: {  	_ =	shalt  }
0x87: {  	_ =	shalt  }
.Lfunc_end0:
.L_simem_size_0:
called_computation.1_lowered:
.L_overlay_start_0:
0x88: {  	s2 =	sld [smem:$0x3FD9]  }
0x89: {  	s3 =	sld [smem:$0x3FFE];
	_ =	sdelay $0x1  }
0x8a: {  	s1 =	srdreg.scid  }
0x8b: {  	s0 =	sand.u32 $0x1, s1  }
0x8c: {  	s17 =	sshll.u32 s0, $0xA;
	s2 =	sadd.s32 s3, s2  }
0x8d: {  	s2 =	sadd.s32 s2, s17  }
0x8e: {  	[smem:$0x3FC6] =	sst s2  }
0x8f: {  	_ = 	snop  }
0x90: {  	s2 =	sld [smem:$0x3FD0];
	(tm) =	ssettm $0x1  }
0x91: {  	s18 =	sld [smem:$0x3FFB];
	_ =	sdelay $0x3  }
0x92: {  	_ =	strace s18  }
0x93: {  	s3 =	sld [smem:$0x3FFC];
	_ =	sdelay $0x3  }
0x94: {  	_ =	strace s3  }
0x95: {  	s3 =	sld [smem:$0x3FFD];
	_ =	sdelay $0x3  }
0x96: {  	_ =	strace s3  }
0x97: {  	_ =	strace $0x8FFFFFFF  }
0x98: {  	s19 =	sld [smem:$0x3FDB];
	_ =	sdelay $0x1  }
0x99: {  	s4 =	simm.s32 $_scs_section_size  }
0x9a: {  	s5 =	simm.s32 $_size__tile_overlayer_lowered;
	s6 =	simm.s32 $_tile_overlayer_lowered  }
0x9b: {  	s22 =	simm.s32 $0x1BFF;
	s21 =	sshll.u32 s6, $0x1;
	s3 =	sadd.s32 s4, s19  }
0x9c: {  	s7 =	simm.s32 $0x0;
	s20 =	sshll.u32 s5, $0x1;
	s5 =	sadd.s32 s21, s3  }
0x9d: {  	[timem:s7], [sflag:s22] =	dma.local [hbm:s5], s20  }
0x9e: {  	_ =	swait.ge [sflag:s22], s20  }
0x9f: {  	s4 =	ssub.s32 $0x0, s20;
	[sflag:s22] =	ssyncset.done $0x0  }
0xa0: {  	[sflag:s22] =	ssyncadd.s32 s4;
	_ =	sdelay $0x1  }
0xa1: {  	s23 =	simm.s32 $0x1B8B  }
0xa2: {  	_ =	swait.ge [sflag:s23], $0x1  }
0xa3: {  	[sflag:s23] =	ssyncset.done $0x0  }
0xa4: {  	s25 =	simm.s32 $0x1B8E;
	s24 =	sld [smem:$0x3FFE];
	[sflag:s23] =	ssyncadd.s32 $0xFFFFFFFF  }
0xa5: {  	s26 =	simm.s32 $execute0_lowered;
	[smem:$0x3FD2] =	sst s25  }
0xa6: {  	s5 =	sshll.u32 s26, $0x1;
	_ =	strace $0x80000046;
	[dreg:$0x1] =	wrdreg $0xFFFFFFFF  }
0xa7: {  	s28 =	simm.s32 $_size_execute0_lowered;
	s3 =	sadd.s32 s3, s5;
	[dreg:$0x0] =	wrdreg $0x0  }
0xa8: {  	s5 =	sshll.u32 s28, $0x1;
	[dreg:$0x2] =	wrdreg s3  }
0xa9: {  	[dreg:$0x3] =	wrdreg s5  }
0xaa: {  	[dreg:$0x4] =	wrdreg $0xC0  }
0xab: {  	_ =	task [dreg:s7], $0x5FFFF  }
0xac: {  	[dreg:$0x1] =	wrdreg $0xFFFFFFFF  }
0xad: {  	[dreg:$0x0] =	wrdreg $0x60  }
0xae: {  	[dreg:$0x2] =	wrdreg s2  }
0xaf: {  	[dreg:$0x3] =	wrdreg s24  }
0xb0: {  	[dreg:$0x4] =	wrdreg $0x9  }
0xb1: {  	_ =	task.clear_ibuf [dreg:s7], $0x5FFFF;
	_ =	strace $0x90000046  }
0xb2: {  	s29 =	simm.s32 $0x9;
	_ =	strace $0x80000048  }
0xb3: {  	_ =	swait.ge [sflag:s29], $0x1  }
0xb4: {  	[sflag:s29] =	ssyncadd.s32 $0xFFFFFFFF  }
0xb5: {  	_ =	strace $0x90000048  }
0xb6: {  	_ =	sfence  }
0xb7: {  	s30 =	sld [smem:$0x0];
	_ =	sdelay $0x2  }
0xb8: {  	s31 =	sshll.u32 s1, $0xD;
	s1 =	sshrl.u32 s1, $0x2  }
0xb9: {  	s3 =	sand.u32 $0x4000, s31;
	s1 =	sadd.s32 s1, s30  }
0xba: {  	s0 =	sor.u32 s3, s0;
	s1 =	sshll.u32 s1, $0x11  }
0xbb: {  	s0 =	sor.u32 s1, s0  }
0xbc: {  	s0 =	sadd.s32 $0x8F2B, s0  }
0xbd: {  	[sflag:s0] =	ssyncadd.remote.s32 $0x1  }
0xbe: {  	_ =	sfence.sel $0xFFFF  }
0xbf: {  	[dreg:$0x0] =	wrdreg $0xFFFFFFFF;
	(pc) =	sbr.abs _section_cstart, $3  }
0xc0: {  	[dreg:$0x1] =	wrdreg $0xFFFFFFFF  }
0xc1: {  	_ =	task.clear_ibuf [dreg:s7], $0x2FFFF;
	_ =	strace $0x9FFFFFFF  }
0xc2: {  	(tm) =	ssettm $0x7FFFFFFF  }
0xc3: {  	_ =	shalt  }
tec
execute0_lowered:
.L_overlay_start_1:
0x0: {  	(tag) =	ssettag $0x1  }
0x1: {  	s1 =	rddreg [dreg:$0x0];
	s2 =	srdreg.scid  }
0x2: {  	s0 =	stileid.u32;
	s6 =	rddreg [dreg:$0x1]  }
0x3: {  	s10 =	simm.s32 $0x6400;
	s11 =	simm.s32 $0xB600;
	s12 =	simm.s32 $0xD600  }
0x4: {  	s13 =	simm.s32 $0x1;
	s14 =	simm.s32 $0xF600;
	s15 =	simm.s32 $0x2  }
0x5: {  	s16 =	simm.s32 $0x13600;
	s17 =	simm.s32 $0x3;
	s18 =	simm.s32 $0x4  }
0x6: {  	s19 =	simm.s32 $0x0;
	s5 =	sand.u32 $0x1, s2;
	s3 =	sshll.u32 s0, $0x1  }
0x7: {  	s2 =	simm.s32 $0x0;
	s4 =	sadd.s32 $0xF43000, s6;
	s3 =	sor.u32 s5, s3  }
0x8: {  	[smem:$0x7FF] =	sst s2;
	s7 =	ssub.s32 $0x2, s5;
	s3 =	smul.u32 $0x6400, s3  }
0x9: {  	s5 =	sadd.s32 $0xC00, s6;
	s6 =	sadd.s32 $0x1800, s6;
	s8 =	sshrl.u32 s7, $0x1  }
0xa: {  	_ =	strace $0x80000047;
	s8 =	ssub.s32 s7, s8;
	s9 =	sshrl.u32 s3, $0x3  }
0xb: {  	v0 =	vimm.f32 $0.0e+00;
	s8 =	smax.u32 s8, $0x1;
	s7 =	sadd.s32 s1, s9;
	s9 =	simm.s32 $0x5  }
.LBB2_1:
0xc: {  	[tilespmem:s2], [sflag:$0x5] =	stream.linear.gather [hbm4b:s7+s2], $0x6400, $0x38;
	[tilespmem:$0x17600] =	vst v63  }
0xd: {  	_ =	swait.ge [sflag:s9], $0x6400  }
0xe: {  	[sflag:s9] =	ssyncset.done $0x0  }
0xf: {  	[sflag:s9] =	ssyncadd.s32 $0xFFFF9C00  }
0x10: {  	[tilespmem:s10], [sflag:$0x5] =	stream.linear.gather [hbm4b:s5+s2], $0x5200, $0x38;
	[tilespmem:$0x17600] =	vst v63  }
0x11: {  	_ =	swait.ge [sflag:s9], $0x5200  }
0x12: {  	[sflag:s9] =	ssyncset.done $0x0  }
0x13: {  	s20 =	simm.s32 $0xF840;
	[sflag:s9] =	ssyncadd.s32 $0xFFFFAE00  }
0x14: {  	[tilespmem:s20+$0xFFFFFE00] =	vst v0  }
0x15: {  	[tilespmem:s20+$0x1B0] =	vst v0  }
0x16: {  	[tilespmem:s20+$0x1A0] =	vst v0  }
0x17: {  	[tilespmem:s20+$0x190] =	vst v0  }
0x18: {  	[tilespmem:s20+$0x180] =	vst v0  }
0x19: {  	[tilespmem:s20+$0x130] =	vst v0  }
0x1a: {  	[tilespmem:s20+$0x120] =	vst v0  }
0x1b: {  	[tilespmem:s20+$0x110] =	vst v0  }
0x1c: {  	[tilespmem:s20+$0x100] =	vst v0  }
0x1d: {  	[tilespmem:s20+$0xB0] =	vst v0  }
0x1e: {  	[tilespmem:s20+$0xA0] =	vst v0  }
0x1f: {  	[tilespmem:s20+$0x90] =	vst v0  }
0x20: {  	[tilespmem:s20+$0x80] =	vst v0  }
0x21: {  	[tilespmem:s20+$0x30] =	vst v0  }
0x22: {  	[tilespmem:s20+$0x20] =	vst v0  }
0x23: {  	[tilespmem:s20+$0x10] =	vst v0  }
0x24: {  	[tilespmem:s20+$0x0] =	vst v0  }
0x25: {  	[tilespmem:s20+$0xFFFFFFB0] =	vst v0  }
0x26: {  	[tilespmem:s20+$0xFFFFFFA0] =	vst v0  }
0x27: {  	[tilespmem:s20+$0xFFFFFF90] =	vst v0  }
0x28: {  	[tilespmem:s20+$0xFFFFFF80] =	vst v0  }
0x29: {  	[tilespmem:s20+$0xFFFFFF30] =	vst v0  }
0x2a: {  	[tilespmem:s20+$0xFFFFFF20] =	vst v0  }
0x2b: {  	[tilespmem:s20+$0xFFFFFF10] =	vst v0  }
0x2c: {  	[tilespmem:s20+$0xFFFFFF00] =	vst v0  }
0x2d: {  	[tilespmem:s20+$0xFFFFFEB0] =	vst v0  }
0x2e: {  	[tilespmem:s20+$0xFFFFFEA0] =	vst v0  }
0x2f: {  	[tilespmem:s20+$0xFFFFFE90] =	vst v0  }
0x30: {  	[tilespmem:s20+$0xFFFFFE80] =	vst v0  }
0x31: {  	[tilespmem:s20+$0xFFFFFE30] =	vst v0  }
0x32: {  	s21 =	simm.s32 $0x0;
	[tilespmem:s20+$0xFFFFFE20] =	vst v0  }
.LBB2_2:
0x33: {  	s21 =	sadd.s32 $0x8, s21;
	[tilespmem:s20+$0xFFFFFE10] =	vst v0;
	s20 =	sadd.s32 $0x400, s20;
	s1 =	simm.s32 $0x13840  }
0x34: {  	[tilespmem:s20+$0xFFFFFE00] =	vst v0;
	p0 =	slt.u32 s21, $0x78  }
0x35: {  	[tilespmem:s20+$0x1B0] =	vst v0  }
0x36: {  	[tilespmem:s20+$0x1A0] =	vst v0  }
0x37: {  	[tilespmem:s20+$0x190] =	vst v0  }
0x38: {  	[tilespmem:s20+$0x180] =	vst v0  }
0x39: {  	[tilespmem:s20+$0x130] =	vst v0  }
0x3a: {  	[tilespmem:s20+$0x120] =	vst v0  }
0x3b: {  	[tilespmem:s20+$0x110] =	vst v0  }
0x3c: {  	[tilespmem:s20+$0x100] =	vst v0  }
0x3d: {  	[tilespmem:s20+$0xB0] =	vst v0  }
0x3e: {  	[tilespmem:s20+$0xA0] =	vst v0  }
0x3f: {  	[tilespmem:s20+$0x90] =	vst v0  }
0x40: {  	[tilespmem:s20+$0x80] =	vst v0  }
0x41: {  	[tilespmem:s20+$0x30] =	vst v0  }
0x42: {  	[tilespmem:s20+$0x20] =	vst v0  }
0x43: {  	[tilespmem:s20+$0x10] =	vst v0  }
0x44: {  	[tilespmem:s20+$0x0] =	vst v0  }
0x45: {  	[tilespmem:s20+$0xFFFFFFB0] =	vst v0  }
0x46: {  	[tilespmem:s20+$0xFFFFFFA0] =	vst v0  }
0x47: {  	[tilespmem:s20+$0xFFFFFF90] =	vst v0  }
0x48: {  	[tilespmem:s20+$0xFFFFFF80] =	vst v0  }
0x49: {  	[tilespmem:s20+$0xFFFFFF30] =	vst v0  }
0x4a: {  	[tilespmem:s20+$0xFFFFFF20] =	vst v0  }
0x4b: {  	[tilespmem:s20+$0xFFFFFF10] =	vst v0  }
0x4c: {  	[tilespmem:s20+$0xFFFFFF00] =	vst v0  }
0x4d: {  	[tilespmem:s20+$0xFFFFFEB0] =	vst v0  }
.Ltmp0:
0x4e: {  	[tilespmem:s20+$0xFFFFFEA0] =	vst v0;
	(pc) =	sbr.rel @p0 .LBB2_2-.Ltmp0, $4  }
0x4f: {  	[tilespmem:s20+$0xFFFFFE90] =	vst v0  }
0x50: {  	[tilespmem:s20+$0xFFFFFE80] =	vst v0  }
0x51: {  	[tilespmem:s20+$0xFFFFFE30] =	vst v0  }
0x52: {  	[tilespmem:s20+$0xFFFFFE20] =	vst v0  }
0x53: {  	[tilespmem:s20+$0xFFFFFE10] =	vst v0  }
0x54: {  	[tilespmem:s1+$0xFFFFFE00] =	vst v0  }
0x55: {  	[tilespmem:s1+$0x1B0] =	vst v0  }
0x56: {  	[tilespmem:s1+$0x1A0] =	vst v0  }
0x57: {  	[tilespmem:s1+$0x190] =	vst v0  }
0x58: {  	[tilespmem:s1+$0x180] =	vst v0  }
0x59: {  	[tilespmem:s1+$0x130] =	vst v0  }
0x5a: {  	[tilespmem:s1+$0x120] =	vst v0  }
0x5b: {  	[tilespmem:s1+$0x110] =	vst v0  }
0x5c: {  	[tilespmem:s1+$0x100] =	vst v0  }
0x5d: {  	[tilespmem:s1+$0xB0] =	vst v0  }
0x5e: {  	[tilespmem:s1+$0xA0] =	vst v0  }
0x5f: {  	[tilespmem:s1+$0x90] =	vst v0  }
0x60: {  	[tilespmem:s1+$0x80] =	vst v0  }
0x61: {  	[tilespmem:s1+$0x30] =	vst v0  }
0x62: {  	[tilespmem:s1+$0x20] =	vst v0  }
0x63: {  	[tilespmem:s1+$0x10] =	vst v0  }
0x64: {  	[tilespmem:s1+$0x0] =	vst v0  }
0x65: {  	[tilespmem:s1+$0xFFFFFFB0] =	vst v0  }
0x66: {  	[tilespmem:s1+$0xFFFFFFA0] =	vst v0  }
0x67: {  	[tilespmem:s1+$0xFFFFFF90] =	vst v0  }
0x68: {  	[tilespmem:s1+$0xFFFFFF80] =	vst v0  }
0x69: {  	[tilespmem:s1+$0xFFFFFF30] =	vst v0  }
0x6a: {  	[tilespmem:s1+$0xFFFFFF20] =	vst v0  }
0x6b: {  	[tilespmem:s1+$0xFFFFFF10] =	vst v0  }
0x6c: {  	[tilespmem:s1+$0xFFFFFF00] =	vst v0  }
0x6d: {  	[tilespmem:s1+$0xFFFFFEB0] =	vst v0  }
0x6e: {  	[tilespmem:s1+$0xFFFFFEA0] =	vst v0  }
0x6f: {  	[tilespmem:s1+$0xFFFFFE90] =	vst v0  }
0x70: {  	[tilespmem:s1+$0xFFFFFE80] =	vst v0  }
0x71: {  	[tilespmem:s1+$0xFFFFFE30] =	vst v0  }
0x72: {  	s20 =	simm.s32 $0x0;
	[tilespmem:s1+$0xFFFFFE20] =	vst v0  }
.LBB2_4:
0x73: {  	s20 =	sadd.s32 $0x8, s20;
	[tilespmem:s1+$0xFFFFFE10] =	vst v0;
	s1 =	sadd.s32 $0x400, s1  }
0x74: {  	[tilespmem:s1+$0xFFFFFE00] =	vst v0;
	p0 =	slt.u32 s20, $0x78  }
0x75: {  	[tilespmem:s1+$0x1B0] =	vst v0  }
0x76: {  	[tilespmem:s1+$0x1A0] =	vst v0  }
0x77: {  	[tilespmem:s1+$0x190] =	vst v0  }
0x78: {  	[tilespmem:s1+$0x180] =	vst v0  }
0x79: {  	[tilespmem:s1+$0x130] =	vst v0  }
0x7a: {  	[tilespmem:s1+$0x120] =	vst v0  }
0x7b: {  	[tilespmem:s1+$0x110] =	vst v0  }
0x7c: {  	[tilespmem:s1+$0x100] =	vst v0  }
0x7d: {  	[tilespmem:s1+$0xB0] =	vst v0  }
0x7e: {  	[tilespmem:s1+$0xA0] =	vst v0  }
0x7f: {  	[tilespmem:s1+$0x90] =	vst v0  }
0x80: {  	[tilespmem:s1+$0x80] =	vst v0  }
0x81: {  	[tilespmem:s1+$0x30] =	vst v0  }
0x82: {  	[tilespmem:s1+$0x20] =	vst v0  }
0x83: {  	[tilespmem:s1+$0x10] =	vst v0  }
0x84: {  	[tilespmem:s1+$0x0] =	vst v0  }
0x85: {  	[tilespmem:s1+$0xFFFFFFB0] =	vst v0  }
0x86: {  	[tilespmem:s1+$0xFFFFFFA0] =	vst v0  }
0x87: {  	[tilespmem:s1+$0xFFFFFF90] =	vst v0  }
0x88: {  	[tilespmem:s1+$0xFFFFFF80] =	vst v0  }
0x89: {  	[tilespmem:s1+$0xFFFFFF30] =	vst v0  }
0x8a: {  	[tilespmem:s1+$0xFFFFFF20] =	vst v0  }
0x8b: {  	[tilespmem:s1+$0xFFFFFF10] =	vst v0  }
0x8c: {  	[tilespmem:s1+$0xFFFFFF00] =	vst v0  }
0x8d: {  	[tilespmem:s1+$0xFFFFFEB0] =	vst v0  }
.Ltmp1:
0x8e: {  	[tilespmem:s1+$0xFFFFFEA0] =	vst v0;
	(pc) =	sbr.rel @p0 .LBB2_4-.Ltmp1, $4  }
0x8f: {  	[tilespmem:s1+$0xFFFFFE90] =	vst v0  }
0x90: {  	[tilespmem:s1+$0xFFFFFE80] =	vst v0  }
0x91: {  	[tilespmem:s1+$0xFFFFFE30] =	vst v0  }
0x92: {  	[tilespmem:s1+$0xFFFFFE20] =	vst v0  }
0x93: {  	[tilespmem:s1+$0xFFFFFE10] =	vst v0;
	s20 =	simm.s32 $0x80;
	s21 =	simm.s32 $0x0  }
0x94: {  	[tilespmem:s11], [sflag:$0x1] =	stream.indirect.gather [hbm4b:s4+s20], $0x40, s21, s20, $0xb8;
	[tilespmem:$0x17600] =	vst v63  }
0x95: {  	s22 =	simm.s32 $0x65F0;
	s23 =	simm.s32 $0x85F0;
	s24 =	simm.s32 $0x0  }
0x96: {  	[tilespmem:s12], [sflag:$0x2] =	stream.indirect.gather [hbm4b:s4+s20], $0x40, s20, s20, $0xb8;
	[tilespmem:$0x17600] =	vst v63  }
.LBB2_6:
0x97: {  	s1 =	smulhi.u32 $0x51EB851F, s21;
	_ =	swait.ge [sflag:s13], $0x2000  }
0x98: {  	p0 =	seq.s32 s24, $0x0;
	[sflag:s13] =	ssyncset.done $0x0  }
0x99: {  	s25 =	simm.s32 @!p0 $0x3;
	s1 =	sshrl.u32 s1, $0x6;
	[sflag:s13] =	ssyncadd.s32 $0xFFFFE000  }
0x9a: {  	s1 =	smul.u32 $0xFFFF3800, s1;
	_ =	swait.ge @!p0 [sflag:s25], $0x4000  }
0x9b: {  	[sflag:s25] =	ssyncset.done @!p0 $0x0  }
0x9c: {  	s26 =	sshra.s32 s1, $0x2;
	[sflag:s25] =	ssyncadd.s32 @!p0 $0xFFFFC000;
	s1 =	simm.s32 $0xB700  }
0x9d: {  	v1 =	vld [tilespmem:s1+$0xC0]  }
0x9e: {  	v4 =	vld [tilespmem:s1+$0xFFFFFF40]  }
0x9f: {  	v6 =	vld [tilespmem:s1+$0xFFFFFF80]  }
0xa0: {  	v10 =	vld [tilespmem:s1+$0x0]  }
0xa1: {  	v12 =	vld [tilespmem:s1+$0x40]  }
0xa2: {  	s28 =	sadd.s32 s26, s22;
	v14 =	vld [tilespmem:s1+$0x80]  }
0xa3: {  	v2 =	vld [tilespmem:s28+$0xFFFFFFD0]  }
0xa4: {  	v3 =	vld [tilespmem:s28+$0xFFFFFE10]  }
0xa5: {  	v5 =	vld [tilespmem:s28+$0xFFFFFE50]  }
0xa6: {  	v7 =	vld [tilespmem:s28+$0xFFFFFE90]  }
0xa7: {  	v8 =	vld [tilespmem:s28+$0xFFFFFED0]  }
0xa8: {  	v11 =	vld [tilespmem:s28+$0xFFFFFF10]  }
0xa9: {  	v13 =	vld [tilespmem:s28+$0xFFFFFF50];
	v1 =	vadd.f32 v2, v1  }
0xaa: {  	s29 =	simm.s32 $0xF800;
	v2 =	vld [tilespmem:s1+$0xFFFFFFC0]  }
0xab: {  	v4 =	vadd.f32 v5, v4;
	v5 =	vld [tilespmem:s1+$0xFFFFFF00];
	[tilespmem:s29+$0x180] =	vst v1  }
0xac: {  	v1 =	vld [tilespmem:s1+$0xD0]  }
0xad: {  	v9 =	vld [tilespmem:s28+$0xFFFFFFE0]  }
0xae: {  	v48 =	vld [tilespmem:s28+$0xFFFFFF90];
	[tilespmem:s29+$0xFFFFFE80] =	vst v4;
	v4 =	vadd.f32 v7, v6  }
0xaf: {  	v7 =	vld [tilespmem:s1+$0xFFFFFF50]  }
0xb0: {  	[tilespmem:s29+$0xFFFFFF00] =	vst v4;
	v4 =	vld [tilespmem:s28+$0xFFFFFE60];
	v2 =	vadd.f32 v8, v2  }
0xb1: {  	v3 =	vadd.f32 v3, v5;
	v5 =	vld [tilespmem:s1+$0xFFFFFF90]  }
0xb2: {  	[tilespmem:s29+$0xFFFFFF80] =	vst v2;
	v2 =	vld [tilespmem:s28+$0xFFFFFEA0];
	v1 =	vadd.f32 v9, v1  }
0xb3: {  	[tilespmem:s29+$0xFFFFFE00] =	vst v3;
	v3 =	vld [tilespmem:s1+$0xFFFFFFD0]  }
0xb4: {  	v51 =	vld [tilespmem:s28+$0xFFFFFEE0];
	[tilespmem:s29+$0x190] =	vst v1  }
0xb5: {  	v4 =	vadd.f32 v4, v7;
	v1 =	vld [tilespmem:s1+$0xE0]  }
0xb6: {  	v6 =	vld [tilespmem:s28+$0xFFFFFFF0]  }
0xb7: {  	v8 =	vld [tilespmem:s28+$0xFFFFFE20];
	[tilespmem:s29+$0xFFFFFE90] =	vst v4;
	v2 =	vadd.f32 v2, v5  }
0xb8: {  	v5 =	vld [tilespmem:s1+$0xFFFFFF60]  }
0xb9: {  	[tilespmem:s29+$0xFFFFFF10] =	vst v2;
	v2 =	vadd.f32 v51, v3;
	v3 =	vld [tilespmem:s28+$0xFFFFFE70]  }
0xba: {  	v55 =	vld [tilespmem:s1+$0xFFFFFFA0]  }
0xbb: {  	v56 =	vld [tilespmem:s28+$0xFFFFFEB0];
	v1 =	vadd.f32 v6, v1  }
0xbc: {  	v6 =	vld [tilespmem:s1+$0xFFFFFF10];
	[tilespmem:s29+$0xFFFFFF90] =	vst v2  }
0xbd: {  	v57 =	vld [tilespmem:s1+$0xFFFFFFE0];
	[tilespmem:s29+$0x1A0] =	vst v1;
	v1 =	vadd.f32 v11, v10  }
0xbe: {  	v49 =	vld [tilespmem:s1+$0xF0]  }
0xbf: {  	v50 =	vld [tilespmem:s28+$0x0];
	v3 =	vadd.f32 v3, v5;
	[tilespmem:s29+$0x0] =	vst v1  }
0xc0: {  	v1 =	vadd.f32 v13, v12;
	v52 =	vld [tilespmem:s1+$0x10]  }
0xc1: {  	v53 =	vld [tilespmem:s28+$0xFFFFFF20];
	[tilespmem:s29+$0xFFFFFEA0] =	vst v3;
	v3 =	vadd.f32 v56, v55  }
0xc2: {  	[tilespmem:s29+$0x80] =	vst v1;
	v1 =	vadd.f32 v48, v14;
	v60 =	vld [tilespmem:s1+$0xFFFFFF70]  }
0xc3: {  	v54 =	vld [tilespmem:s1+$0x50];
	[tilespmem:s29+$0xFFFFFF20] =	vst v3  }
0xc4: {  	[tilespmem:s29+$0x100] =	vst v1;
	v1 =	vadd.f32 v8, v6;
	v6 =	vld [tilespmem:s28+$0xFFFFFF60]  }
0xc5: {  	v61 =	vld [tilespmem:s1+$0xFFFFFFB0]  }
0xc6: {  	v62 =	vld [tilespmem:s28+$0xFFFFFEC0]  }
0xc7: {  	v8 =	vld [tilespmem:s1+$0x90]  }
0xc8: {  	[tilespmem:s29+$0xFFFFFE10] =	vst v1;
	v1 =	vld [tilespmem:s28+$0xFFFFFFA0]  }
0xc9: {  	v2 =	vadd.f32 v53, v52;
	v7 =	vld [tilespmem:s1+$0xFFFFFF20]  }
0xca: {  	v4 =	vld [tilespmem:s28+$0xFFFFFE30]  }
0xcb: {  	[tilespmem:s29+$0x10] =	vst v2;
	v2 =	vadd.f32 v6, v54;
	v6 =	vld [tilespmem:s28+$0xFFFFFEF0]  }
0xcc: {  	v58 =	vld [tilespmem:s1+$0x20]  }
0xcd: {  	[tilespmem:s29+$0x90] =	vst v2;
	v1 =	vadd.f32 v1, v8;
	v2 =	vld [tilespmem:s28+$0xFFFFFF30]  }
0xce: {  	v8 =	vld [tilespmem:s1+$0x60]  }
0xcf: {  	v4 =	vadd.f32 v4, v7;
	[tilespmem:s29+$0x110] =	vst v1;
	v1 =	vld [tilespmem:s28+$0xFFFFFF70]  }
0xd0: {  	v7 =	vld [tilespmem:s1+$0xA0]  }
0xd1: {  	[tilespmem:s29+$0xFFFFFE20] =	vst v4;
	v4 =	vld [tilespmem:s28+$0xFFFFFFB0]  }
0xd2: {  	v3 =	vadd.f32 v6, v57;
	v5 =	vld [tilespmem:s1+$0xFFFFFF30]  }
0xd3: {  	v59 =	vld [tilespmem:s28+$0xFFFFFE40]  }
0xd4: {  	v6 =	vld [tilespmem:s28+$0xFFFFFE80];
	[tilespmem:s29+$0xFFFFFFA0] =	vst v3;
	v2 =	vadd.f32 v2, v58  }
0xd5: {  	v3 =	vadd.f32 v50, v49;
	v63 =	vld [tilespmem:s1+$0xFFFFFFF0]  }
0xd6: {  	s26 =	smulhi.u32 $0x51EB851F, s20;
	[tilespmem:s29+$0x20] =	vst v2;
	v2 =	vadd.f32 v1, v8;
	v8 =	vld [tilespmem:s28+$0xFFFFFF00]  }
0xd7: {  	[tilespmem:s29+$0x1B0] =	vst v3;
	v4 =	vadd.f32 v4, v7;
	v1 =	vld [tilespmem:s1+$0x30]  }
0xd8: {  	s25 =	sshrl.u32 s26, $0x6;
	v3 =	vld [tilespmem:s28+$0xFFFFFF40];
	[tilespmem:s29+$0xA0] =	vst v2;
	v5 =	vadd.f32 v59, v5  }
0xd9: {  	s25 =	smul.u32 $0xFFFF3800, s25;
	[tilespmem:s29+$0x120] =	vst v4;
	v4 =	vadd.f32 v6, v60;
	v2 =	vld [tilespmem:s1+$0x70]  }
0xda: {  	v6 =	vadd.f32 v62, v61;
	[tilespmem:s29+$0xFFFFFE30] =	vst v5;
	v5 =	vld [tilespmem:s28+$0xFFFFFF80]  }
0xdb: {  	s30 =	sshll.u32 s24, $0xA;
	s31 =	simm.s32 $0x0;
	s25 =	sshra.s32 s25, $0x2;
	[tilespmem:s29+$0xFFFFFEB0] =	vst v4;
	v4 =	vld [tilespmem:s1+$0xB0];
	v7 =	vadd.f32 v8, v63  }
0xdc: {  	s26 =	sshll.u32 s24, $0x8;
	s25 =	sadd.s32 s25, s23;
	[tilespmem:s29+$0xFFFFFF30] =	vst v6;
	v6 =	vld [tilespmem:s28+$0xFFFFFFC0];
	s1 =	simm.s32 $0xB900  }
.LBB2_7:
0xdd: {  	v8 =	vld [tilespmem:s1+$0xC0];
	[tilespmem:s29+$0xFFFFFFB0] =	vst v7;
	v1 =	vadd.f32 v3, v1;
	s28 =	sadd.s32 $0x200, s28  }
0xde: {  	v3 =	vld [tilespmem:s28+$0xFFFFFFD0]  }
0xdf: {  	v7 =	vld [tilespmem:s28+$0xFFFFFE10];
	[tilespmem:s29+$0x30] =	vst v1;
	v1 =	vadd.f32 v5, v2  }
0xe0: {  	v2 =	vld [tilespmem:s1+$0xFFFFFF40]  }
0xe1: {  	s31 =	sadd.s32 $0x8, s31;
	v5 =	vld [tilespmem:s28+$0xFFFFFE50];
	[tilespmem:s29+$0xB0] =	vst v1;
	v1 =	vadd.f32 v6, v4  }
0xe2: {  	p1 =	slt.u32 s31, $0x78;
	v4 =	vld [tilespmem:s1+$0xFFFFFF80]  }
0xe3: {  	v6 =	vld [tilespmem:s28+$0xFFFFFE90];
	v3 =	vadd.f32 v3, v8;
	[tilespmem:s29+$0x130] =	vst v1  }
0xe4: {  	s29 =	sadd.s32 $0x400, s29;
	v1 =	vld [tilespmem:s1+$0xFFFFFFC0]  }
0xe5: {  	v8 =	vld [tilespmem:s28+$0xFFFFFED0];
	[tilespmem:s29+$0x180] =	vst v3  }
0xe6: {  	v2 =	vadd.f32 v5, v2;
	v3 =	vld [tilespmem:s1+$0xD0]  }
0xe7: {  	v5 =	vld [tilespmem:s28+$0xFFFFFFE0]  }
0xe8: {  	[tilespmem:s29+$0xFFFFFE80] =	vst v2;
	v2 =	vadd.f32 v6, v4;
	v4 =	vld [tilespmem:s1+$0x0]  }
0xe9: {  	v6 =	vld [tilespmem:s28+$0xFFFFFF10]  }
0xea: {  	[tilespmem:s29+$0xFFFFFF00] =	vst v2;
	v1 =	vadd.f32 v8, v1;
	v2 =	vld [tilespmem:s1+$0x40]  }
0xeb: {  	v8 =	vld [tilespmem:s28+$0xFFFFFF50]  }
0xec: {  	[tilespmem:s29+$0xFFFFFF80] =	vst v1;
	v1 =	vld [tilespmem:s1+$0x80];
	v3 =	vadd.f32 v5, v3  }
0xed: {  	v5 =	vld [tilespmem:s28+$0xFFFFFF90]  }
0xee: {  	v9 =	vld [tilespmem:s1+$0xFFFFFF00];
	v4 =	vadd.f32 v6, v4;
	[tilespmem:s29+$0x190] =	vst v3  }
0xef: {  	v3 =	vld [tilespmem:s1+$0xE0]  }
0xf0: {  	[tilespmem:s29+$0x0] =	vst v4;
	v2 =	vadd.f32 v8, v2;
	v4 =	vld [tilespmem:s28+$0xFFFFFFF0]  }
0xf1: {  	v6 =	vld [tilespmem:s1+$0xFFFFFF50]  }
0xf2: {  	v8 =	vld [tilespmem:s28+$0xFFFFFE60];
	[tilespmem:s29+$0x80] =	vst v2;
	v1 =	vadd.f32 v5, v1  }
0xf3: {  	v2 =	vadd.f32 v7, v9;
	v5 =	vld [tilespmem:s1+$0xFFFFFF90]  }
0xf4: {  	v7 =	vld [tilespmem:s28+$0xFFFFFEA0];
	[tilespmem:s29+$0x100] =	vst v1  }
0xf5: {  	[tilespmem:s29+$0xFFFFFE00] =	vst v2;
	v1 =	vld [tilespmem:s1+$0xFFFFFFD0];
	v2 =	vadd.f32 v4, v3  }
0xf6: {  	v3 =	vld [tilespmem:s1+$0xFFFFFF10]  }
0xf7: {  	v4 =	vld [tilespmem:s28+$0xFFFFFE20];
	v6 =	vadd.f32 v8, v6;
	[tilespmem:s29+$0x1A0] =	vst v2  }
0xf8: {  	v2 =	vld [tilespmem:s1+$0xF0]  }
0xf9: {  	[tilespmem:s29+$0xFFFFFE90] =	vst v6;
	v5 =	vadd.f32 v7, v5;
	v6 =	vld [tilespmem:s28+$0x0]  }
0xfa: {  	v7 =	vld [tilespmem:s28+$0xFFFFFEE0]  }
0xfb: {  	[tilespmem:s29+$0xFFFFFF10] =	vst v5;
	v5 =	vld [tilespmem:s1+$0x10]  }
0xfc: {  	v3 =	vadd.f32 v4, v3;
	v4 =	vld [tilespmem:s28+$0xFFFFFF20]  }
0xfd: {  	v8 =	vld [tilespmem:s1+$0x50]  }
0xfe: {  	[tilespmem:s29+$0xFFFFFE10] =	vst v3;
	v3 =	vld [tilespmem:s28+$0xFFFFFF60];
	v2 =	vadd.f32 v6, v2  }
0xff: {  	v1 =	vadd.f32 v7, v1;
	v6 =	vld [tilespmem:s1+$0x90]  }
0x100: {  	v7 =	vld [tilespmem:s28+$0xFFFFFFA0];
	[tilespmem:s29+$0x1B0] =	vst v2  }
0x101: {  	v2 =	vld [tilespmem:s1+$0xFFFFFF20];
	[tilespmem:s29+$0xFFFFFF90] =	vst v1;
	v1 =	vadd.f32 v4, v5  }
0x102: {  	v4 =	vld [tilespmem:s28+$0xFFFFFE30]  }
0x103: {  	v5 =	vld [tilespmem:s1+$0xFFFFFF60];
	[tilespmem:s29+$0x10] =	vst v1;
	v1 =	vadd.f32 v3, v8  }
0x104: {  	v3 =	vld [tilespmem:s28+$0xFFFFFE70]  }
0x105: {  	v8 =	vld [tilespmem:s1+$0xFFFFFFA0];
	[tilespmem:s29+$0x90] =	vst v1;
	v1 =	vadd.f32 v7, v6  }
0x106: {  	v6 =	vld [tilespmem:s28+$0xFFFFFEB0]  }
0x107: {  	v2 =	vadd.f32 v4, v2;
	v4 =	vld [tilespmem:s1+$0xFFFFFFE0];
	[tilespmem:s29+$0x110] =	vst v1  }
0x108: {  	v1 =	vld [tilespmem:s28+$0xFFFFFEF0]  }
0x109: {  	[tilespmem:s29+$0xFFFFFE20] =	vst v2;
	v2 =	vadd.f32 v3, v5;
	v3 =	vld [tilespmem:s1+$0x20]  }
0x10a: {  	v5 =	vld [tilespmem:s28+$0xFFFFFF30]  }
0x10b: {  	[tilespmem:s29+$0xFFFFFEA0] =	vst v2;
	v2 =	vadd.f32 v6, v8;
	v6 =	vld [tilespmem:s1+$0x60]  }
0x10c: {  	v7 =	vld [tilespmem:s28+$0xFFFFFF70]  }
0x10d: {  	[tilespmem:s29+$0xFFFFFF20] =	vst v2;
	v1 =	vadd.f32 v1, v4;
	v2 =	vld [tilespmem:s1+$0xA0]  }
0x10e: {  	v4 =	vld [tilespmem:s28+$0xFFFFFFB0]  }
0x10f: {  	v8 =	vld [tilespmem:s1+$0xFFFFFF30];
	[tilespmem:s29+$0xFFFFFFA0] =	vst v1;
	v1 =	vadd.f32 v5, v3  }
0x110: {  	v3 =	vld [tilespmem:s28+$0xFFFFFE40]  }
0x111: {  	v5 =	vld [tilespmem:s1+$0xFFFFFF70];
	[tilespmem:s29+$0x20] =	vst v1;
	v1 =	vadd.f32 v7, v6  }
0x112: {  	v6 =	vld [tilespmem:s28+$0xFFFFFE80]  }
0x113: {  	v7 =	vld [tilespmem:s1+$0xFFFFFFB0];
	[tilespmem:s29+$0xA0] =	vst v1;
	v1 =	vadd.f32 v4, v2  }
0x114: {  	v2 =	vld [tilespmem:s28+$0xFFFFFEC0]  }
0x115: {  	v3 =	vadd.f32 v3, v8;
	v4 =	vld [tilespmem:s1+$0xFFFFFFF0];
	[tilespmem:s29+$0x120] =	vst v1  }
0x116: {  	v8 =	vld [tilespmem:s28+$0xFFFFFF00]  }
0x117: {  	[tilespmem:s29+$0xFFFFFE30] =	vst v3;
	v5 =	vadd.f32 v6, v5;
	v1 =	vld [tilespmem:s1+$0x30]  }
.Ltmp2:
0x118: {  	v3 =	vld [tilespmem:s28+$0xFFFFFF40];
	(pc) =	sbr.rel @p1 .LBB2_7-.Ltmp2, $4  }
0x119: {  	[tilespmem:s29+$0xFFFFFEB0] =	vst v5;
	v6 =	vadd.f32 v2, v7;
	v2 =	vld [tilespmem:s1+$0x70]  }
0x11a: {  	v5 =	vld [tilespmem:s28+$0xFFFFFF80]  }
0x11b: {  	[tilespmem:s29+$0xFFFFFF30] =	vst v6;
	v7 =	vadd.f32 v8, v4;
	v4 =	vld [tilespmem:s1+$0xB0]  }
0x11c: {  	s1 =	sadd.s32 $0x200, s1;
	v6 =	vld [tilespmem:s28+$0xFFFFFFC0]  }
0x11d: {  	_ =	sdelay $0x1  }
0x11e: {  	v1 =	vadd.f32 v3, v1  }
0x11f: {  	[tilespmem:s29+$0xFFFFFFB0] =	vst v7;
	v2 =	vadd.f32 v5, v2  }
0x120: {  	p1 =	seq.s32 s24, $0x63;
	[tilespmem:s29+$0x30] =	vst v1;
	v1 =	vadd.f32 v6, v4  }
0x121: {  	s31 =	sadd.s32 s3, s26;
	s28 =	sshrl.u32 @!p1 s30, $0x2;
	[tilespmem:s29+$0xB0] =	vst v2  }
0x122: {  	s30 =	simm.s32 @!p1 $0xB600;
	s1 =	sadd.s32 @!p1 $0x100, s28;
	[tilespmem:s29+$0x130] =	vst v1;
	s29 =	simm.s32 @!p1 $0x80  }
0x123: {  	[tilespmem:s30], [sflag:$0x1] =	stream.indirect.gather @!p1 [hbm4b:s4+s29], $0x40, s1, s29, $0xb8;
	[tilespmem:$0x17600] =	vst v63  }
0x124: {  	s1 =	sshll.u32 s31, $0x4  }
0x125: {  	s1 =	sadd.s32 s6, s1  }
0x126: {  	[hbm4b:s1+s2] =	stream.linear.scatter [tilespmem:s14], [sflag:$0x3], $0x4000, $0x38;
	[tilespmem:$0x17600] =	vst v63  }
0x127: {  	_ =	swait.ge [sflag:s15], $0x2000  }
0x128: {  	[sflag:s15] =	ssyncset.done $0x0  }
0x129: {  	s1 =	simm.s32 @!p0 $0x4;
	[sflag:s15] =	ssyncadd.s32 $0xFFFFE000  }
0x12a: {  	_ =	swait.ge @!p0 [sflag:s1], $0x4000  }
0x12b: {  	[sflag:s1] =	ssyncset.done @!p0 $0x0  }
0x12c: {  	s31 =	simm.s32 $0xD700;
	[sflag:s1] =	ssyncadd.s32 @!p0 $0xFFFFC000  }
0x12d: {  	v1 =	vld [tilespmem:s31+$0xC0]  }
0x12e: {  	v2 =	vld [tilespmem:s25+$0xFFFFFFD0]  }
0x12f: {  	v3 =	vld [tilespmem:s25+$0xFFFFFE10]  }
0x130: {  	v4 =	vld [tilespmem:s31+$0xFFFFFF40]  }
0x131: {  	v5 =	vld [tilespmem:s25+$0xFFFFFE50]  }
0x132: {  	v6 =	vld [tilespmem:s31+$0xFFFFFF80]  }
0x133: {  	v7 =	vld [tilespmem:s25+$0xFFFFFE90]  }
0x134: {  	v8 =	vld [tilespmem:s25+$0xFFFFFED0]  }
0x135: {  	v10 =	vld [tilespmem:s31+$0x0]  }
0x136: {  	v11 =	vld [tilespmem:s25+$0xFFFFFF10]  }
0x137: {  	v12 =	vld [tilespmem:s31+$0x40]  }
0x138: {  	v13 =	vld [tilespmem:s25+$0xFFFFFF50]  }
0x139: {  	v14 =	vld [tilespmem:s31+$0x80];
	v1 =	vadd.f32 v2, v1  }
0x13a: {  	s29 =	simm.s32 $0x13800;
	v2 =	vld [tilespmem:s31+$0xFFFFFFC0]  }
0x13b: {  	v4 =	vadd.f32 v5, v4;
	v5 =	vld [tilespmem:s31+$0xFFFFFF00];
	[tilespmem:s29+$0x180] =	vst v1  }
0x13c: {  	v1 =	vld [tilespmem:s31+$0xD0]  }
0x13d: {  	v9 =	vld [tilespmem:s25+$0xFFFFFFE0]  }
0x13e: {  	v48 =	vld [tilespmem:s25+$0xFFFFFF90];
	[tilespmem:s29+$0xFFFFFE80] =	vst v4;
	v4 =	vadd.f32 v7, v6  }
0x13f: {  	v7 =	vld [tilespmem:s31+$0xFFFFFF50]  }
0x140: {  	[tilespmem:s29+$0xFFFFFF00] =	vst v4;
	v4 =	vld [tilespmem:s25+$0xFFFFFE60];
	v2 =	vadd.f32 v8, v2  }
0x141: {  	v3 =	vadd.f32 v3, v5;
	v5 =	vld [tilespmem:s31+$0xFFFFFF90]  }
0x142: {  	[tilespmem:s29+$0xFFFFFF80] =	vst v2;
	v2 =	vld [tilespmem:s25+$0xFFFFFEA0];
	v1 =	vadd.f32 v9, v1  }
0x143: {  	[tilespmem:s29+$0xFFFFFE00] =	vst v3;
	v3 =	vld [tilespmem:s31+$0xFFFFFFD0]  }
0x144: {  	v51 =	vld [tilespmem:s25+$0xFFFFFEE0];
	[tilespmem:s29+$0x190] =	vst v1  }
0x145: {  	v4 =	vadd.f32 v4, v7;
	v1 =	vld [tilespmem:s31+$0xE0]  }
0x146: {  	v6 =	vld [tilespmem:s25+$0xFFFFFFF0]  }
0x147: {  	v8 =	vld [tilespmem:s25+$0xFFFFFE20];
	[tilespmem:s29+$0xFFFFFE90] =	vst v4;
	v2 =	vadd.f32 v2, v5  }
0x148: {  	v5 =	vld [tilespmem:s31+$0xFFFFFF60]  }
0x149: {  	[tilespmem:s29+$0xFFFFFF10] =	vst v2;
	v2 =	vadd.f32 v51, v3;
	v3 =	vld [tilespmem:s25+$0xFFFFFE70]  }
0x14a: {  	v55 =	vld [tilespmem:s31+$0xFFFFFFA0]  }
0x14b: {  	v56 =	vld [tilespmem:s25+$0xFFFFFEB0];
	v1 =	vadd.f32 v6, v1  }
0x14c: {  	v6 =	vld [tilespmem:s31+$0xFFFFFF10];
	[tilespmem:s29+$0xFFFFFF90] =	vst v2  }
0x14d: {  	v57 =	vld [tilespmem:s31+$0xFFFFFFE0];
	[tilespmem:s29+$0x1A0] =	vst v1;
	v1 =	vadd.f32 v11, v10  }
0x14e: {  	v49 =	vld [tilespmem:s31+$0xF0]  }
0x14f: {  	v50 =	vld [tilespmem:s25+$0x0];
	v3 =	vadd.f32 v3, v5;
	[tilespmem:s29+$0x0] =	vst v1  }
0x150: {  	v1 =	vadd.f32 v13, v12;
	v52 =	vld [tilespmem:s31+$0x10]  }
0x151: {  	v53 =	vld [tilespmem:s25+$0xFFFFFF20];
	[tilespmem:s29+$0xFFFFFEA0] =	vst v3;
	v3 =	vadd.f32 v56, v55  }
0x152: {  	[tilespmem:s29+$0x80] =	vst v1;
	v1 =	vadd.f32 v48, v14;
	v60 =	vld [tilespmem:s31+$0xFFFFFF70]  }
0x153: {  	v54 =	vld [tilespmem:s31+$0x50];
	[tilespmem:s29+$0xFFFFFF20] =	vst v3  }
0x154: {  	[tilespmem:s29+$0x100] =	vst v1;
	v1 =	vadd.f32 v8, v6;
	v6 =	vld [tilespmem:s25+$0xFFFFFF60]  }
0x155: {  	v61 =	vld [tilespmem:s31+$0xFFFFFFB0]  }
0x156: {  	v62 =	vld [tilespmem:s25+$0xFFFFFEC0]  }
0x157: {  	v8 =	vld [tilespmem:s31+$0x90]  }
0x158: {  	[tilespmem:s29+$0xFFFFFE10] =	vst v1;
	v1 =	vld [tilespmem:s25+$0xFFFFFFA0]  }
0x159: {  	v2 =	vadd.f32 v53, v52;
	v7 =	vld [tilespmem:s31+$0xFFFFFF20]  }
0x15a: {  	v4 =	vld [tilespmem:s25+$0xFFFFFE30]  }
0x15b: {  	[tilespmem:s29+$0x10] =	vst v2;
	v2 =	vadd.f32 v6, v54;
	v6 =	vld [tilespmem:s25+$0xFFFFFEF0]  }
0x15c: {  	v58 =	vld [tilespmem:s31+$0x20]  }
0x15d: {  	[tilespmem:s29+$0x90] =	vst v2;
	v1 =	vadd.f32 v1, v8;
	v2 =	vld [tilespmem:s25+$0xFFFFFF30]  }
0x15e: {  	v8 =	vld [tilespmem:s31+$0x60]  }
0x15f: {  	v4 =	vadd.f32 v4, v7;
	[tilespmem:s29+$0x110] =	vst v1;
	v1 =	vld [tilespmem:s25+$0xFFFFFF70]  }
0x160: {  	v7 =	vld [tilespmem:s31+$0xA0]  }
0x161: {  	[tilespmem:s29+$0xFFFFFE20] =	vst v4;
	v4 =	vld [tilespmem:s25+$0xFFFFFFB0]  }
0x162: {  	v3 =	vadd.f32 v6, v57;
	v5 =	vld [tilespmem:s31+$0xFFFFFF30]  }
0x163: {  	v59 =	vld [tilespmem:s25+$0xFFFFFE40]  }
0x164: {  	v6 =	vld [tilespmem:s25+$0xFFFFFE80];
	[tilespmem:s29+$0xFFFFFFA0] =	vst v3;
	v2 =	vadd.f32 v2, v58  }
0x165: {  	v3 =	vadd.f32 v50, v49;
	v63 =	vld [tilespmem:s31+$0xFFFFFFF0]  }
0x166: {  	[tilespmem:s29+$0x20] =	vst v2;
	v2 =	vadd.f32 v1, v8;
	v8 =	vld [tilespmem:s25+$0xFFFFFF00]  }
0x167: {  	[tilespmem:s29+$0x1B0] =	vst v3;
	v4 =	vadd.f32 v4, v7;
	v1 =	vld [tilespmem:s31+$0x30]  }
0x168: {  	v3 =	vld [tilespmem:s25+$0xFFFFFF40];
	[tilespmem:s29+$0xA0] =	vst v2;
	v5 =	vadd.f32 v59, v5  }
0x169: {  	[tilespmem:s29+$0x120] =	vst v4;
	v4 =	vadd.f32 v6, v60;
	v2 =	vld [tilespmem:s31+$0x70]  }
0x16a: {  	v6 =	vadd.f32 v62, v61;
	[tilespmem:s29+$0xFFFFFE30] =	vst v5;
	v5 =	vld [tilespmem:s25+$0xFFFFFF80]  }
0x16b: {  	[tilespmem:s29+$0xFFFFFEB0] =	vst v4;
	v4 =	vld [tilespmem:s31+$0xB0];
	v7 =	vadd.f32 v8, v63  }
0x16c: {  	s26 =	sor.u32 $0x80, s26;
	s30 =	simm.s32 $0x0;
	s1 =	simm.s32 $0xD900;
	[tilespmem:s29+$0xFFFFFF30] =	vst v6;
	v6 =	vld [tilespmem:s25+$0xFFFFFFC0]  }
.LBB2_9:
0x16d: {  	v8 =	vld [tilespmem:s1+$0xC0];
	[tilespmem:s29+$0xFFFFFFB0] =	vst v7;
	v1 =	vadd.f32 v3, v1;
	s25 =	sadd.s32 $0x200, s25  }
0x16e: {  	v3 =	vld [tilespmem:s25+$0xFFFFFFD0]  }
0x16f: {  	v7 =	vld [tilespmem:s25+$0xFFFFFE10];
	[tilespmem:s29+$0x30] =	vst v1;
	v1 =	vadd.f32 v5, v2  }
0x170: {  	v2 =	vld [tilespmem:s1+$0xFFFFFF40]  }
0x171: {  	s30 =	sadd.s32 $0x8, s30;
	v5 =	vld [tilespmem:s25+$0xFFFFFE50];
	[tilespmem:s29+$0xB0] =	vst v1;
	v1 =	vadd.f32 v6, v4  }
0x172: {  	p0 =	slt.u32 s30, $0x78;
	v4 =	vld [tilespmem:s1+$0xFFFFFF80]  }
0x173: {  	v6 =	vld [tilespmem:s25+$0xFFFFFE90];
	v3 =	vadd.f32 v3, v8;
	[tilespmem:s29+$0x130] =	vst v1  }
0x174: {  	s29 =	sadd.s32 $0x400, s29;
	v1 =	vld [tilespmem:s1+$0xFFFFFFC0]  }
0x175: {  	v8 =	vld [tilespmem:s25+$0xFFFFFED0];
	[tilespmem:s29+$0x180] =	vst v3  }
0x176: {  	v2 =	vadd.f32 v5, v2;
	v3 =	vld [tilespmem:s1+$0xD0]  }
0x177: {  	v5 =	vld [tilespmem:s25+$0xFFFFFFE0]  }
0x178: {  	[tilespmem:s29+$0xFFFFFE80] =	vst v2;
	v2 =	vadd.f32 v6, v4;
	v4 =	vld [tilespmem:s1+$0x0]  }
0x179: {  	v6 =	vld [tilespmem:s25+$0xFFFFFF10]  }
0x17a: {  	[tilespmem:s29+$0xFFFFFF00] =	vst v2;
	v1 =	vadd.f32 v8, v1;
	v2 =	vld [tilespmem:s1+$0x40]  }
0x17b: {  	v8 =	vld [tilespmem:s25+$0xFFFFFF50]  }
0x17c: {  	[tilespmem:s29+$0xFFFFFF80] =	vst v1;
	v1 =	vld [tilespmem:s1+$0x80];
	v3 =	vadd.f32 v5, v3  }
0x17d: {  	v5 =	vld [tilespmem:s25+$0xFFFFFF90]  }
0x17e: {  	v9 =	vld [tilespmem:s1+$0xFFFFFF00];
	v4 =	vadd.f32 v6, v4;
	[tilespmem:s29+$0x190] =	vst v3  }
0x17f: {  	v3 =	vld [tilespmem:s1+$0xE0]  }
0x180: {  	[tilespmem:s29+$0x0] =	vst v4;
	v2 =	vadd.f32 v8, v2;
	v4 =	vld [tilespmem:s25+$0xFFFFFFF0]  }
0x181: {  	v6 =	vld [tilespmem:s1+$0xFFFFFF50]  }
0x182: {  	v8 =	vld [tilespmem:s25+$0xFFFFFE60];
	[tilespmem:s29+$0x80] =	vst v2;
	v1 =	vadd.f32 v5, v1  }
0x183: {  	v2 =	vadd.f32 v7, v9;
	v5 =	vld [tilespmem:s1+$0xFFFFFF90]  }
0x184: {  	v7 =	vld [tilespmem:s25+$0xFFFFFEA0];
	[tilespmem:s29+$0x100] =	vst v1  }
0x185: {  	[tilespmem:s29+$0xFFFFFE00] =	vst v2;
	v1 =	vld [tilespmem:s1+$0xFFFFFFD0];
	v2 =	vadd.f32 v4, v3  }
0x186: {  	v3 =	vld [tilespmem:s1+$0xFFFFFF10]  }
0x187: {  	v4 =	vld [tilespmem:s25+$0xFFFFFE20];
	v6 =	vadd.f32 v8, v6;
	[tilespmem:s29+$0x1A0] =	vst v2  }
0x188: {  	v2 =	vld [tilespmem:s1+$0xF0]  }
0x189: {  	[tilespmem:s29+$0xFFFFFE90] =	vst v6;
	v5 =	vadd.f32 v7, v5;
	v6 =	vld [tilespmem:s25+$0x0]  }
0x18a: {  	v7 =	vld [tilespmem:s25+$0xFFFFFEE0]  }
0x18b: {  	[tilespmem:s29+$0xFFFFFF10] =	vst v5;
	v5 =	vld [tilespmem:s1+$0x10]  }
0x18c: {  	v3 =	vadd.f32 v4, v3;
	v4 =	vld [tilespmem:s25+$0xFFFFFF20]  }
0x18d: {  	v8 =	vld [tilespmem:s1+$0x50]  }
0x18e: {  	[tilespmem:s29+$0xFFFFFE10] =	vst v3;
	v3 =	vld [tilespmem:s25+$0xFFFFFF60];
	v2 =	vadd.f32 v6, v2  }
0x18f: {  	v1 =	vadd.f32 v7, v1;
	v6 =	vld [tilespmem:s1+$0x90]  }
0x190: {  	v7 =	vld [tilespmem:s25+$0xFFFFFFA0];
	[tilespmem:s29+$0x1B0] =	vst v2  }
0x191: {  	v2 =	vld [tilespmem:s1+$0xFFFFFF20];
	[tilespmem:s29+$0xFFFFFF90] =	vst v1;
	v1 =	vadd.f32 v4, v5  }
0x192: {  	v4 =	vld [tilespmem:s25+$0xFFFFFE30]  }
0x193: {  	v5 =	vld [tilespmem:s1+$0xFFFFFF60];
	[tilespmem:s29+$0x10] =	vst v1;
	v1 =	vadd.f32 v3, v8  }
0x194: {  	v3 =	vld [tilespmem:s25+$0xFFFFFE70]  }
0x195: {  	v8 =	vld [tilespmem:s1+$0xFFFFFFA0];
	[tilespmem:s29+$0x90] =	vst v1;
	v1 =	vadd.f32 v7, v6  }
0x196: {  	v6 =	vld [tilespmem:s25+$0xFFFFFEB0]  }
0x197: {  	v2 =	vadd.f32 v4, v2;
	v4 =	vld [tilespmem:s1+$0xFFFFFFE0];
	[tilespmem:s29+$0x110] =	vst v1  }
0x198: {  	v1 =	vld [tilespmem:s25+$0xFFFFFEF0]  }
0x199: {  	[tilespmem:s29+$0xFFFFFE20] =	vst v2;
	v2 =	vadd.f32 v3, v5;
	v3 =	vld [tilespmem:s1+$0x20]  }
0x19a: {  	v5 =	vld [tilespmem:s25+$0xFFFFFF30]  }
0x19b: {  	[tilespmem:s29+$0xFFFFFEA0] =	vst v2;
	v2 =	vadd.f32 v6, v8;
	v6 =	vld [tilespmem:s1+$0x60]  }
0x19c: {  	v7 =	vld [tilespmem:s25+$0xFFFFFF70]  }
0x19d: {  	[tilespmem:s29+$0xFFFFFF20] =	vst v2;
	v1 =	vadd.f32 v1, v4;
	v2 =	vld [tilespmem:s1+$0xA0]  }
0x19e: {  	v4 =	vld [tilespmem:s25+$0xFFFFFFB0]  }
0x19f: {  	v8 =	vld [tilespmem:s1+$0xFFFFFF30];
	[tilespmem:s29+$0xFFFFFFA0] =	vst v1;
	v1 =	vadd.f32 v5, v3  }
0x1a0: {  	v3 =	vld [tilespmem:s25+$0xFFFFFE40]  }
0x1a1: {  	v5 =	vld [tilespmem:s1+$0xFFFFFF70];
	[tilespmem:s29+$0x20] =	vst v1;
	v1 =	vadd.f32 v7, v6  }
0x1a2: {  	v6 =	vld [tilespmem:s25+$0xFFFFFE80]  }
0x1a3: {  	v7 =	vld [tilespmem:s1+$0xFFFFFFB0];
	[tilespmem:s29+$0xA0] =	vst v1;
	v1 =	vadd.f32 v4, v2  }
0x1a4: {  	v2 =	vld [tilespmem:s25+$0xFFFFFEC0]  }
0x1a5: {  	v3 =	vadd.f32 v3, v8;
	v4 =	vld [tilespmem:s1+$0xFFFFFFF0];
	[tilespmem:s29+$0x120] =	vst v1  }
0x1a6: {  	v8 =	vld [tilespmem:s25+$0xFFFFFF00]  }
0x1a7: {  	[tilespmem:s29+$0xFFFFFE30] =	vst v3;
	v5 =	vadd.f32 v6, v5;
	v1 =	vld [tilespmem:s1+$0x30]  }
.Ltmp3:
0x1a8: {  	v3 =	vld [tilespmem:s25+$0xFFFFFF40];
	(pc) =	sbr.rel @p0 .LBB2_9-.Ltmp3, $4  }
0x1a9: {  	[tilespmem:s29+$0xFFFFFEB0] =	vst v5;
	v6 =	vadd.f32 v2, v7;
	v2 =	vld [tilespmem:s1+$0x70]  }
0x1aa: {  	v5 =	vld [tilespmem:s25+$0xFFFFFF80]  }
0x1ab: {  	[tilespmem:s29+$0xFFFFFF30] =	vst v6;
	v7 =	vadd.f32 v8, v4;
	v4 =	vld [tilespmem:s1+$0xB0]  }
0x1ac: {  	s1 =	sadd.s32 $0x200, s1;
	v6 =	vld [tilespmem:s25+$0xFFFFFFC0]  }
0x1ad: {  	_ =	sdelay $0x1  }
0x1ae: {  	v1 =	vadd.f32 v3, v1  }
0x1af: {  	[tilespmem:s29+$0xFFFFFFB0] =	vst v7;
	v2 =	vadd.f32 v5, v2  }
0x1b0: {  	[tilespmem:s29+$0x30] =	vst v1;
	v1 =	vadd.f32 v6, v4  }
0x1b1: {  	s1 =	sadd.s32 @!p1 $0x180, s28;
	s24 =	sadd.s32 $0x1, s24;
	[tilespmem:s29+$0xB0] =	vst v2  }
0x1b2: {  	s25 =	simm.s32 @!p1 $0x80;
	s28 =	simm.s32 @!p1 $0xD600;
	p0 =	sne.s32 s24, $0x64;
	[tilespmem:s29+$0x130] =	vst v1  }
0x1b3: {  	[tilespmem:s28], [sflag:$0x2] =	stream.indirect.gather @!p1 [hbm4b:s4+s25], $0x40, s1, s25, $0xb8;
	[tilespmem:$0x17600] =	vst v63  }
.Ltmp4:
0x1b4: {  	s31 =	sadd.s32 s3, s26;
	(pc) =	sbr.rel @p0 .LBB2_6-.Ltmp4, $4  }
0x1b5: {  	s1 =	sshll.u32 s31, $0x4  }
0x1b6: {  	s22 =	sadd.s32 $0x4000, s22;
	s21 =	sadd.s32 $0x100, s21;
	s1 =	sand.u32 $0x1FFFF800, s1  }
0x1b7: {  	s23 =	sadd.s32 $0x4000, s23;
	s20 =	sadd.s32 $0x100, s20;
	s1 =	sadd.s32 s6, s1  }
0x1b8: {  	[hbm4b:s1+s2] =	stream.linear.scatter [tilespmem:s16], [sflag:$0x4], $0x4000, $0x38;
	[tilespmem:$0x17600] =	vst v63  }
0x1b9: {  	s19 =	sadd.s32 $0x1, s19  }
0x1ba: {  	_ =	swait.ge [sflag:s17], $0x4000;
	p0 =	sne.s32 s19, s8  }
.Ltmp5:
0x1bb: {  	[sflag:s17] =	ssyncset.done $0x0;
	(pc) =	sbr.rel @p0 .LBB2_1-.Ltmp5, $4  }
0x1bc: {  	[sflag:s17] =	ssyncadd.s32 $0xFFFFC000  }
0x1bd: {  	_ =	swait.ge [sflag:s18], $0x4000  }
0x1be: {  	[sflag:s18] =	ssyncset.done $0x0  }
0x1bf: {  	[sflag:s18] =	ssyncadd.s32 $0xFFFFC000  }
0x1c0: {  	_ =	sfence.sel $0x180000  }
0x1c1: {  	[bflag:$0x0] =	sbarrier.arrive $0xFFFF  }
0x1c2: {  	_ =	strace $0x90000047  }
0x1c3: {  	[bflag:$0x2] =	sbarrier.arrive $0xFFFF  }
0x1c4: {  	p0 =	sne.s32 s0, $0x0;
	s0 =	rddreg [dreg:$0x2]  }
0x1c5: {  	s0 =	sadd.s32 @!p0 $0x100000, s0  }
0x1c6: {  	[sflag:s0] =	ssyncadd.tile.s32 @!p0 $0x1;
	_ =	shalt  }
.Lfunc_end2:
_tile_overlayer_lowered:
.L_overlay_start_2:
0x1c7: {  	(tag) =	ssettag $0x2  }
0x1c8: {  	s0 =	rddreg [dreg:$0x0];
	s2 =	stileid.u32  }
0x1c9: {  	s1 =	rddreg [dreg:$0x1];
	p0 =	sne.s32 s2, $0x0  }
0x1ca: {  	s3 =	rddreg [dreg:$0x2];
	[bflag:$0x3] =	sbarrier.arrive $0xFFFF;
	s2 =	simm.s32 @!p0 $0x1C05  }
0x1cb: {  	[timem:s3], [sflag:s2] =	dma.local @!p0 [hbm:s0], s1  }
0x1cc: {  	s0 =	simm.s32 @!p0 $0x5  }
0x1cd: {  	_ =	swait.ge @!p0 [sflag:s0], s1  }
0x1ce: {  	s1 =	ssub.s32 @!p0 $0x0, s1;
	[sflag:s0] =	ssyncset.done @!p0 $0x0  }
0x1cf: {  	[sflag:s0] =	ssyncadd.s32 @!p0 s1  }
0x1d0: {  	[bflag:$0x3] =	sbarrier.arrive $0xFFFF  }
0x1d1: {  	_ =	shalt  }

// kernel: sparse-core-data-format-call.cloned.1.call-start
scs
called_computation_lowered:
.L_overlay_start_0:
0x0: {  	s2 =	sld [smem:$0x3FD9]  }
0x1: {  	s3 =	sld [smem:$0x3FFE];
	_ =	sdelay $0x1  }
0x2: {  	s1 =	srdreg.scid  }
0x3: {  	s0 =	sand.u32 $0x1, s1  }
0x4: {  	s18 =	sshll.u32 s0, $0xA;
	s2 =	sadd.s32 s3, s2  }
0x5: {  	s2 =	sadd.s32 s2, s18  }
0x6: {  	[smem:$0x3FC6] =	sst s2  }
0x7: {  	_ = 	snop  }
0x8: {  	s2 =	sld [smem:$0x3FD0];
	(tm) =	ssettm $0x1  }
0x9: {  	s19 =	sld [smem:$0x3FFB];
	_ =	sdelay $0x3  }
0xa: {  	_ =	strace s19  }
0xb: {  	s3 =	sld [smem:$0x3FFC];
	_ =	sdelay $0x3  }
0xc: {  	_ =	strace s3  }
0xd: {  	s3 =	sld [smem:$0x3FFD];
	_ =	sdelay $0x3  }
0xe: {  	_ =	strace s3  }
0xf: {  	_ =	strace $0x8FFFFFFF  }
0x10: {  	s20 =	sld [smem:$0x3FDB];
	_ =	sdelay $0x1  }
0x11: {  	s4 =	simm.s32 $_scs_section_size  }
0x12: {  	s5 =	simm.s32 $_size__tile_overlayer_lowered;
	s6 =	simm.s32 $_tile_overlayer_lowered  }
0x13: {  	s23 =	simm.s32 $0x1BFF;
	s22 =	sshll.u32 s6, $0x1;
	s3 =	sadd.s32 s4, s20  }
0x14: {  	s7 =	simm.s32 $0x0;
	s21 =	sshll.u32 s5, $0x1;
	s5 =	sadd.s32 s22, s3  }
0x15: {  	[timem:s7], [sflag:s23] =	dma.local [hbm:s5], s21  }
0x16: {  	_ =	swait.ge [sflag:s23], s21  }
0x17: {  	s4 =	ssub.s32 $0x0, s21;
	[sflag:s23] =	ssyncset.done $0x0  }
0x18: {  	[sflag:s23] =	ssyncadd.s32 s4;
	_ =	sdelay $0x1  }
0x19: {  	s24 =	simm.s32 $0x1B8B  }
0x1a: {  	_ =	swait.ge [sflag:s24], $0x1  }
0x1b: {  	[sflag:s24] =	ssyncset.done $0x0  }
0x1c: {  	s26 =	simm.s32 $0x1B8E;
	s25 =	sld [smem:$0x3FFE];
	[sflag:s24] =	ssyncadd.s32 $0xFFFFFFFF  }
0x1d: {  	s27 =	simm.s32 $execute0_lowered;
	[smem:$0x3FD2] =	sst s26  }
0x1e: {  	s5 =	sshll.u32 s27, $0x1;
	_ =	strace $0x80000049;
	[dreg:$0x1] =	wrdreg $0xFFFFFFFF  }
0x1f: {  	s28 =	simm.s32 $_size_execute0_lowered;
	s3 =	sadd.s32 s3, s5;
	[dreg:$0x0] =	wrdreg $0x0  }
0x20: {  	s5 =	sshll.u32 s28, $0x1;
	[dreg:$0x2] =	wrdreg s3  }
0x21: {  	[dreg:$0x3] =	wrdreg s5  }
0x22: {  	[dreg:$0x4] =	wrdreg $0xC0  }
0x23: {  	_ =	task [dreg:s7], $0x5FFFF  }
0x24: {  	[dreg:$0x1] =	wrdreg $0xFFFFFFFF  }
0x25: {  	[dreg:$0x0] =	wrdreg $0x60  }
0x26: {  	[dreg:$0x2] =	wrdreg s25  }
0x27: {  	[dreg:$0x3] =	wrdreg s2  }
0x28: {  	[dreg:$0x4] =	wrdreg $0x9  }
0x29: {  	_ =	task.clear_ibuf [dreg:s7], $0x5FFFF;
	_ =	strace $0x90000049  }
0x2a: {  	s29 =	simm.s32 $0x9;
	_ =	strace $0x8000004B  }
0x2b: {  	_ =	swait.ge [sflag:s29], $0x1  }
0x2c: {  	[sflag:s29] =	ssyncadd.s32 $0xFFFFFFFF  }
0x2d: {  	_ =	strace $0x9000004B  }
0x2e: {  	_ =	sfence  }
0x2f: {  	s30 =	sld [smem:$0x0];
	_ =	sdelay $0x2  }
0x30: {  	s31 =	sshll.u32 s1, $0xD;
	s1 =	sshrl.u32 s1, $0x2  }
0x31: {  	s3 =	sand.u32 $0x4000, s31;
	s1 =	sadd.s32 s1, s30  }
0x32: {  	s0 =	sor.u32 s3, s0;
	s1 =	sshll.u32 s1, $0x11  }
0x33: {  	s0 =	sor.u32 s1, s0  }
0x34: {  	s0 =	sadd.s32 $0x8F2B, s0  }
0x35: {  	[sflag:s0] =	ssyncadd.remote.s32 $0x1  }
0x36: {  	_ =	sfence.sel $0xFFFF  }
0x37: {  	[dreg:$0x0] =	wrdreg $0xFFFFFFFF;
	(pc) =	sbr.abs _section_cstart, $3  }
0x38: {  	[dreg:$0x1] =	wrdreg $0xFFFFFFFF  }
0x39: {  	_ =	task.clear_ibuf [dreg:s7], $0x2FFFF;
	_ =	strace $0x9FFFFFFF  }
0x3a: {  	(tm) =	ssettm $0x7FFFFFFF  }
0x3b: {  	_ =	shalt  }
tec
execute0_lowered:
.L_overlay_start_1:
0x0: {  	(tag) =	ssettag $0x1  }
0x1: {  	s0 =	srdreg.scid  }
0x2: {  	s1 =	sshll.u32 s0, $0x4  }
0x3: {  	s0 =	stileid.u32;
	s1 =	sand.u32 $0x10, s1  }
0x4: {  	s1 =	sor.u32 s0, s1  }
0x5: {  	s6 =	rddreg [dreg:$0x0];
	s4 =	simm.s32 $0x1;
	s2 =	sshll.u32 s1, $0x7  }
0x6: {  	s7 =	simm.s32 $0x2;
	s12 =	simm.s32 $0x0;
	s1 =	ssub.s32 $0x1000, s2  }
0x7: {  	s8 =	simm.s32 $0x8000;
	s13 =	simm.s32 $0x0;
	s3 =	sand.u32 $0xF80, s1  }
0x8: {  	s9 =	simm.s32 $0x0;
	s5 =	sshrl.u32 s1, $0xC;
	p0 =	sne.s32 s3, $0x0  }
.Ltmp0:
0x9: {  	s1 =	rddreg [dreg:$0x2];
	s4 =	simm.s32 @!p0 $0x0;
	(pc) =	sbr.rel .LBB1_1-.Ltmp0, $4  }
0xa: {  	s11 =	simm.s32 $0x0;
	s3 =	rddreg [dreg:$0x1];
	s5 =	sadd.s32 s4, s5  }
0xb: {  	_ =	strace $0x8000004A;
	s4 =	simm.s32 $0x1;
	s5 =	smul.u32 $0xC8, s5  }
0xc: {  	s6 =	sadd.s32 $0x1800, s6;
	s10 =	smov.u32 s2;
	[sflag:s4] =	ssyncpa.u1 $0x0  }
0xd: {  	p0 =	por $0x0, $0x0;
	[sflag:s7] =	ssyncpa.u1 $0x0;
	s7 =	sor.u32 $0x1, s5  }
.LBB1_4:
0xe: {  	s16 =	sshll.u32 s13, $0x3;
	s17 =	sand.u32 $0x78, s13  }
0xf: {  	s30 =	sand.u32 $0x7E00, s13;
	s12 =	sshll.u32 s12, $0xF;
	s16 =	sand.u32 $0xC00, s16  }
0x10: {  	[tilespmem:s15+$0x810 ss:$0x81] =	vst.msk $0xffff, v2;
	s31 =	sand.u32 $0x7, s13;
	s16 =	sor.u32 s17, s16;
	s17 =	sadd.s32 s3, s30  }
0x11: {  	[tilespmem:s15+$0x1020 ss:$0x81] =	vst.msk $0xffff, v0;
	s13 =	sshll.u32 s31, $0x12;
	s12 =	sadd.s32 s12, s17;
	s16 =	sshrl.u32 s16, $0x3  }
0x12: {  	[tilespmem:s15+$0x0 ss:$0x81] =	vst.msk $0xffff, v1;
	s13 =	sor.u32 $0x400, s13;
	s12 =	sadd.s32 s16, s12  }
0x13: {  	[hbm4b:s12+s13] =	stream.strided.scatter [tilespmem:s14], [sflag:$0x2], $0x2000, s8, s13, $0x20;
	[tilespmem:$0x8080] =	vst v63  }
.LBB1_5:
0x14: {  	s14 =	sadd.s32 $0x1, s9  }
0x15: {  	s12 =	sadd.s32 $0x1000, s10;
	s16 =	smov.u32 s10;
	p2 =	sgt.s32 s14, $0xC7  }
0x16: {  	s16 =	smov.u32 @p2 s12  }
0x17: {  	s14 =	simm.s32 @p2 $0x0;
	p2 =	sgt.s32 s16, $0xFFF  }
0x18: {  	s16 =	smov.u32 @p2 s2;
	p2 =	sne.s32 s11, s7  }
.Ltmp1:
0x19: {  	p1 =	slt.u32 s11, $0x2;
	(pc) =	sbr.rel @!p2 .LBB1_6-.Ltmp1, $4  }
0x1a: {  	s15 =	simm.s32 @!p1 $0x2  }
0x1b: {  	s13 =	smov.u32 s10;
	p0 =	por !p0, !p0;
	_ =	swait.ge @!p1 [sflag:s15], $0x2000  }
0x1c: {  	s12 =	smov.u32 s9;
	[sflag:s15] =	ssyncset.done @!p1 $0x0;
	s9 =	smov.u32 s14  }
0x1d: {  	s11 =	sadd.s32 $0x1, s11;
	[sflag:s15] =	ssyncadd.s32 @!p1 $0xFFFFE000;
	s10 =	smov.u32 s16  }
.LBB1_1:
0x1e: {  	p1 =	sge.u32 s11, s5  }
0x1f: {  	s14 =	sand.u32 @!p1 $0x1FFFFFF, s9  }
0x20: {  	s15 =	smulhi.u32 @!p1 $0x147AE15, s14;
	_ =	sdelay $0x1  }
0x21: {  	s15 =	smul.u32 @!p1 $0xC8, s15  }
0x22: {  	s16 =	sxor.u32 @!p1 $0xFFFFFFFF, s11;
	s17 =	smul.u32 @!p1 $0xC80, s10  }
0x23: {  	s31 =	sadd.s32 $0xFFFFFFFF, s11;
	s16 =	sshll.u32 @!p1 s16, $0xD;
	s14 =	ssub.s32 @!p1 s14, s15  }
0x24: {  	s15 =	sand.u32 @!p1 $0x2000, s16;
	s16 =	sadd.s32 @!p1 s6, s17;
	s14 =	sshll.u32 @!p1 s14, $0x4  }
0x25: {  	s17 =	simm.s32 @!p1 $0x6400;
	s14 =	sadd.s32 @!p1 s14, s16;
	s16 =	simm.s32 @!p1 $0x40  }
0x26: {  	[tilespmem:s15], [sflag:$0x1] =	stream.strided.gather @!p1 [hbm4b:s14+s16], $0x2000, s17, s16, $0x38;
	[tilespmem:$0x8080] =	vst v63  }
0x27: {  	p1 =	sge.u32 s31, s5  }
.Ltmp2:
0x28: {  	_ = 	snop;
	(pc) =	sbr.rel @p1 .LBB1_5-.Ltmp2, $1  }
0x29: {  	_ =	sdelay $0x3  }
0x2a: {  	s14 =	simm.s32 $0x1  }
0x2b: {  	_ =	swait.ge [sflag:s4], $0x2000;
	s14 =	simm.s32 @!p0 $0x0  }
0x2c: {  	[sflag:s4] =	ssyncset.done $0x0;
	s15 =	sshll.u32 s14, $0xD  }
0x2d: {  	[sflag:s4] =	ssyncadd.s32 $0xFFFFE000;
	s18 =	sor.u32 $0x20, s15  }
0x2e: {  	s14 =	smul.u32 $0x8100, s14;
	v3 =	vld [tilespmem:s18+$0x10]  }
0x2f: {  	s30 =	sand.u32 $0x1, s11;
	v2 =	vld [tilespmem:s18+$0xFFFFFFF0]  }
0x30: {  	s15 =	smul.u32 $0x8100, s30;
	s14 =	sshrl.u32 s14, $0x2;
	v0 =	vld [tilespmem:s18+$0x0]  }
0x31: {  	v1 =	vld [tilespmem:s18+$0xFFFFFFE0];
	s16 =	sor.u32 $0x4000, s14  }
0x32: {  	s31 =	sshrl.u32 s15, $0x2;
	s15 =	sadd.s32 $0x0, s16  }
0x33: {  	s17 =	simm.s32 $0x4;
	s18 =	sadd.s32 $0x40, s18;
	s14 =	sor.u32 $0x4000, s31;
	[tilespmem:s15+$0x1830 ss:$0x81] =	vst.msk $0xffff, v3  }
.LBB1_3:
0x34: {  	v3 =	vld [tilespmem:s18+$0x10];
	p1 =	sne.s32 s17, $0x1FC;
	[tilespmem:s15+$0x810 ss:$0x81] =	vst.msk $0xffff, v2;
	s19 =	smov.u32 s17;
	s17 =	sadd.s32 $0x4, s17  }
.Ltmp3:
0x35: {  	v2 =	vld [tilespmem:s18+$0xFFFFFFF0];
	[tilespmem:s15+$0x1020 ss:$0x81] =	vst.msk $0xffff, v0;
	(pc) =	sbr.rel @p1 .LBB1_3-.Ltmp3, $4  }
0x36: {  	v0 =	vld [tilespmem:s18+$0x0];
	[tilespmem:s15+$0x0 ss:$0x81] =	vst.msk $0xffff, v1  }
0x37: {  	s15 =	sshra.s32 s19, $0x2;
	v1 =	vld [tilespmem:s18+$0xFFFFFFE0]  }
0x38: {  	s15 =	sadd.s32 s15, s16  }
0x39: {  	s18 =	sadd.s32 $0x40, s18;
	[tilespmem:s15+$0x1830 ss:$0x81] =	vst.msk $0xffff, v3  }
.Ltmp4:
0x3a: {  	_ = 	snop;
	(pc) =	sbr.rel .LBB1_4-.Ltmp4, $1  }
0x3b: {  	_ =	sdelay $0x3  }
.LBB1_6:
0x3c: {  	_ =	sfence.sel $0x180000  }
0x3d: {  	s2 =	simm.s32 $0x1;
	[bflag:$0x0] =	sbarrier.arrive $0xFFFF  }
0x3e: {  	s31 =	simm.s32 $0x2;
	[sflag:s2] =	ssyncpa.u1 $0x1  }
0x3f: {  	[sflag:s31] =	ssyncpa.u1 $0x1  }
0x40: {  	p0 =	sne.s32 s0, $0x0;
	_ =	strace $0x9000004A  }
0x41: {  	s0 =	sadd.s32 @!p0 $0x100000, s1;
	[bflag:$0x2] =	sbarrier.arrive $0xFFFF  }
0x42: {  	[sflag:s0] =	ssyncadd.tile.s32 @!p0 $0x1;
	_ =	shalt  }
.Lfunc_end1:
_tile_overlayer_lowered:
.L_overlay_start_2:
0x43: {  	(tag) =	ssettag $0x2  }
0x44: {  	s0 =	rddreg [dreg:$0x0];
	s2 =	stileid.u32  }
0x45: {  	s1 =	rddreg [dreg:$0x1];
	p0 =	sne.s32 s2, $0x0  }
0x46: {  	s3 =	rddreg [dreg:$0x2];
	[bflag:$0x3] =	sbarrier.arrive $0xFFFF;
	s2 =	simm.s32 @!p0 $0x1C01  }
0x47: {  	[timem:s3], [sflag:s2] =	dma.local @!p0 [hbm:s0], s1  }
0x48: {  	s0 =	simm.s32 @!p0 $0x1  }
0x49: {  	_ =	swait.ge @!p0 [sflag:s0], s1  }
0x4a: {  	s1 =	ssub.s32 @!p0 $0x0, s1;
	[sflag:s0] =	ssyncset.done @!p0 $0x0  }
0x4b: {  	[sflag:s0] =	ssyncadd.s32 @!p0 s1  }
0x4c: {  	[bflag:$0x3] =	sbarrier.arrive $0xFFFF  }
0x4d: {  	_ =	shalt  }

</sc_bundles>
